<compile_context>
chip_gen: v7x
topology: tpu7x:2x2x1
jax: 0.10.2.dev20260603
libtpu: 0.0.44.dev20260713+nightly
codegen_flags: <defaults>
</compile_context>

<pallas_src>
import functools

import jax
import jax.numpy as jnp
from jax import lax
from jax.experimental import pallas as pl
from jax.experimental.pallas import tpu as pltpu
from jax.experimental.pallas import tpu_sc as plsc

_LANES = 16
_NUM_WORKERS = 32
_CHUNK = 4096
_NBUF = 2


def kernel(P_in, h_in, P_axis, h_axis, F):
    n = P_in.shape[0]
    nx = P_axis.shape[0]
    ny = h_axis.shape[0]

    def body(p_hbm, h_hbm, pf_hbm,
             c0_hbm, c1_hbm, c2_hbm, c3_hbm, out_hbm,
             pf_v, c0_v, c1_v, c2_v, c3_v,
             *bufs_and_sems):
        p_bufs = bufs_and_sems[0:_NBUF]
        h_bufs = bufs_and_sems[_NBUF:2 * _NBUF]
        o_bufs = bufs_and_sems[2 * _NBUF:3 * _NBUF]
        sem_p = bufs_and_sems[3 * _NBUF:4 * _NBUF]
        sem_h = bufs_and_sems[4 * _NBUF:5 * _NBUF]
        sem_o = bufs_and_sems[5 * _NBUF:6 * _NBUF]

        wid = lax.axis_index("s") * 2 + lax.axis_index("c")
        per_w = p_hbm.shape[0] // _NUM_WORKERS
        base = wid * per_w
        n_chunks = per_w // _CHUNK

        pltpu.sync_copy(pf_hbm, pf_v)
        pltpu.sync_copy(c0_hbm, c0_v)
        pltpu.sync_copy(c1_hbm, c1_v)
        pltpu.sync_copy(c2_hbm, c2_v)
        pltpu.sync_copy(c3_hbm, c3_v)

        inv_dx = pf_v[0, :]
        cx = pf_v[1, :]
        inv_dy = pf_v[2, :]
        cy = pf_v[3, :]
        lane_i = lax.iota(jnp.int32, _LANES)

        for b in range(_NBUF):
            off = base + b * _CHUNK
            pltpu.async_copy(p_hbm.at[pl.ds(off, _CHUNK)], p_bufs[b], sem_p[b])
            pltpu.async_copy(h_hbm.at[pl.ds(off, _CHUNK)], h_bufs[b], sem_h[b])

        def super_body(t, _):
            c0 = t * _NBUF
            for b in range(_NBUF):
                c = c0 + b
                off = base + c * _CHUNK
                p_v, h_v, o_v = p_bufs[b], h_bufs[b], o_bufs[b]

                pltpu.make_async_copy(
                    p_hbm.at[pl.ds(off, _CHUNK)], p_v, sem_p[b]).wait()
                pltpu.make_async_copy(
                    h_hbm.at[pl.ds(off, _CHUNK)], h_v, sem_h[b]).wait()

                @pl.when(c >= _NBUF)
                def _():
                    off_prev = off - _NBUF * _CHUNK
                    pltpu.make_async_copy(
                        o_v, out_hbm.at[pl.ds(off_prev, _CHUNK)],
                        sem_o[b]).wait()

                @plsc.parallel_loop(0, _CHUNK, step=_LANES, unroll=8)
                def vec_body(s):
                    p = p_v[pl.ds(s, _LANES)]
                    h = h_v[pl.ds(s, _LANES)]

                    fx = p * inv_dx + cx
                    fy = h * inv_dy + cy
                    ix = jnp.minimum(fx.astype(jnp.int32), nx - 2)
                    iy = jnp.minimum(fy.astype(jnp.int32), ny - 2)
                    wx = jnp.minimum(
                        jnp.maximum(fx - ix.astype(jnp.float32), 0.0), 1.0)
                    wy = jnp.minimum(
                        jnp.maximum(fy - iy.astype(jnp.float32), 0.0), 1.0)

                    k = lax.shift_left(
                        lax.shift_left(ix, 4) + iy, 4) + lane_i

                    z0 = plsc.load_gather(c0_v, [k])
                    zx = plsc.load_gather(c1_v, [k])
                    zy = plsc.load_gather(c2_v, [k])
                    zxy = plsc.load_gather(c3_v, [k])

                    o_v[pl.ds(s, _LANES)] = z0 + wx * zx + wy * (zy + wx * zxy)

                pltpu.async_copy(o_v, out_hbm.at[pl.ds(off, _CHUNK)], sem_o[b])

                @pl.when(c + _NBUF < n_chunks)
                def _():
                    off_next = off + _NBUF * _CHUNK
                    pltpu.async_copy(
                        p_hbm.at[pl.ds(off_next, _CHUNK)], p_v, sem_p[b])
                    pltpu.async_copy(
                        h_hbm.at[pl.ds(off_next, _CHUNK)], h_v, sem_h[b])
            return 0

        lax.fori_loop(0, n_chunks // _NBUF, super_body, 0)

        for b in range(_NBUF):
            off = base + (n_chunks - _NBUF + b) * _CHUNK
            pltpu.make_async_copy(
                o_bufs[b], out_hbm.at[pl.ds(off, _CHUNK)], sem_o[b]).wait()

    dx = P_axis[1] - P_axis[0]
    dy = h_axis[1] - h_axis[0]
    inv_dx = 1.0 / dx
    inv_dy = 1.0 / dy
    params_f = jnp.stack([
        inv_dx, -P_axis[0] * inv_dx, inv_dy, -h_axis[0] * inv_dy,
    ]).astype(jnp.float32)
    params_f = jnp.broadcast_to(params_f[:, None], (4, _LANES))

    z00 = F[:-1, :-1]
    dzx = F[1:, :-1] - z00
    dzy = F[:-1, 1:] - z00
    dzxy = F[1:, 1:] - F[1:, :-1] - dzy

    def pad_flat(a):
        flat = (jnp.zeros((_LANES, _LANES), jnp.float32)
                .at[:nx - 1, :ny - 1].set(a).reshape(_LANES * _LANES))
        return jnp.broadcast_to(
            flat[:, None], (_LANES * _LANES, _LANES)).reshape(-1)

    mesh = plsc.VectorSubcoreMesh(core_axis_name="c", subcore_axis_name="s")
    buf = pltpu.VMEM((_CHUNK,), jnp.float32)
    tab = pltpu.VMEM((_LANES * _LANES * _LANES,), jnp.float32)
    run = functools.partial(
        pl.kernel,
        out_type=jax.ShapeDtypeStruct((n,), jnp.float32),
        mesh=mesh,
        compiler_params=pltpu.CompilerParams(needs_layout_passes=False),
        scratch_types=[
            pltpu.VMEM((4, _LANES), jnp.float32),
            tab, tab, tab, tab,
        ] + [buf] * (3 * _NBUF) + [pltpu.SemaphoreType.DMA] * (3 * _NBUF),
    )(body)
    return run(P_in, h_in, params_f,
               pad_flat(z00), pad_flat(dzx), pad_flat(dzy), pad_flat(dzxy))

# --- scband reference (transcript-rebuilt; emitter-appended) ---
"""Pipeline reference for scband-pam-force-map-11501922419385 (READ-ONLY COPY).

The authoritative reference and input builder live on the scoring server;
editing this copy changes nothing except your own understanding.
"""

import jax, jax.numpy as jnp
import numpy as np

N = 4194304


def setup_inputs(seed: int = 0) -> dict:
    key = jax.random.key(seed)
    k1, k2 = jax.random.split(key)
    P_axis = jnp.arange(13, dtype=jnp.float32) * 50.0
    h_axis = jnp.arange(11, dtype=jnp.float32) * 0.025
    # F_table[i, j] = P_i * (1 - 3 * h_j), matching the literal init table
    F = P_axis[:, None] * (1.0 - 3.0 * h_axis)[None, :]
    # queries slightly outside the axis ranges to exercise the clamp
    P_in = jax.random.uniform(k1, (N,), dtype=jnp.float32) * 650.0 - 25.0
    h_in = jax.random.uniform(k2, (N,), dtype=jnp.float32) * 0.30 - 0.02
    return {"P_in": P_in, "h_in": h_in, "P_axis": P_axis, "h_axis": h_axis, "F": F}


def _interp2d_bilinear(x, y, Z, xq, yq):
    # Z has shape [len(y), len(x)]; Z[j, i] = f(x_i, y_j)
    ix = jnp.clip(jnp.searchsorted(x, xq, side='right') - 1, 0, x.shape[0] - 2)
    iy = jnp.clip(jnp.searchsorted(y, yq, side='right') - 1, 0, y.shape[0] - 2)
    x0 = x[ix]
    x1 = x[ix + 1]
    y0 = y[iy]
    y1 = y[iy + 1]
    wx = (xq - x0) / (x1 - x0)
    wy = (yq - y0) / (y1 - y0)
    z00 = Z[iy, ix]
    z10 = Z[iy, ix + 1]
    z01 = Z[iy + 1, ix]
    z11 = Z[iy + 1, ix + 1]
    return (1.0 - wy) * ((1.0 - wx) * z00 + wx * z10) + wy * ((1.0 - wx) * z01 + wx * z11)


def reference(P_in, h_in, P_axis, h_axis, F):
    # squeeze(-1) in torch is a no-op for 1-D inputs of size != 1
    Pc = jnp.clip(P_in, P_axis[0], P_axis[-1])
    hc = jnp.clip(h_in, h_axis[0], h_axis[-1])
    return _interp2d_bilinear(P_axis, h_axis, F.T, Pc, hc)

if __name__ == "__main__":
    import jax
    _d = setup_inputs()
    print(jax.jit(kernel)(*tuple(_d.values())))

</pallas_src>

<mosaic_0001>
#map = affine_map<(d0, d1) -> (0)>
#map1 = affine_map<(d0, d1) -> (0, 0)>
module attributes {stable_mosaic.version = 14 : i64} {
  func.func @body(%arg0: i32, %arg1: i32, %arg2: memref<4194304xf32, #tpu.memory_space<hbm>>, %arg3: memref<4194304xf32, #tpu.memory_space<hbm>>, %arg4: memref<4x16xf32, #tpu.memory_space<hbm>>, %arg5: memref<4096xf32, #tpu.memory_space<hbm>>, %arg6: memref<4096xf32, #tpu.memory_space<hbm>>, %arg7: memref<4096xf32, #tpu.memory_space<hbm>>, %arg8: memref<4096xf32, #tpu.memory_space<hbm>>, %arg9: memref<4194304xf32, #tpu.memory_space<hbm>>, %arg10: memref<4x16xf32, #tpu.memory_space<vmem>>, %arg11: memref<4096xf32, #tpu.memory_space<vmem>>, %arg12: memref<4096xf32, #tpu.memory_space<vmem>>, %arg13: memref<4096xf32, #tpu.memory_space<vmem>>, %arg14: memref<4096xf32, #tpu.memory_space<vmem>>, %arg15: memref<4096xf32, #tpu.memory_space<vmem>>, %arg16: memref<4096xf32, #tpu.memory_space<vmem>>, %arg17: memref<4096xf32, #tpu.memory_space<vmem>>, %arg18: memref<4096xf32, #tpu.memory_space<vmem>>, %arg19: memref<4096xf32, #tpu.memory_space<vmem>>, %arg20: memref<4096xf32, #tpu.memory_space<vmem>>, %arg21: memref<!tpu.dma_semaphore, #tpu.memory_space<semaphore_mem>>, %arg22: memref<!tpu.dma_semaphore, #tpu.memory_space<semaphore_mem>>, %arg23: memref<!tpu.dma_semaphore, #tpu.memory_space<semaphore_mem>>, %arg24: memref<!tpu.dma_semaphore, #tpu.memory_space<semaphore_mem>>, %arg25: memref<!tpu.dma_semaphore, #tpu.memory_space<semaphore_mem>>, %arg26: memref<!tpu.dma_semaphore, #tpu.memory_space<semaphore_mem>>) attributes {dimension_semantics = [#tpu.dimension_semantics<core_parallel>, #tpu.dimension_semantics<subcore_parallel>], iteration_bounds = array<i64: 2, 16>, scalar_prefetch = 0 : i64, scratch_operands = 17 : i64, tpu.core_type = #tpu.core_type<sc_vector_subcore>, window_params = [{transform_indices = #map}, {transform_indices = #map}, {transform_indices = #map1}, {transform_indices = #map}, {transform_indices = #map}, {transform_indices = #map}, {transform_indices = #map}, {transform_indices = #map}]} {
    %mul3A = arith.constant 2 : i32
    %mul3A_0 = arith.muli %arg1, %mul3A : i32
    %add3A = arith.addi %mul3A_0, %arg0 : i32
    %mul3A_1 = arith.constant 131072 : i32
    %mul3A_2 = arith.muli %add3A, %mul3A_1 : i32
    "tpu.region"() ({
      %run_scoped3A = tpu.sem_alloc : memref<!tpu.dma_semaphore, #tpu.memory_space<semaphore_mem>>
      tpu.enqueue_dma source(%arg4 : memref<4x16xf32, #tpu.memory_space<hbm>>) target(%arg10 : memref<4x16xf32, #tpu.memory_space<vmem>>) target_semaphore(%run_scoped3A : memref<!tpu.dma_semaphore, #tpu.memory_space<semaphore_mem>>)
      tpu.wait_dma2 semaphore(%run_scoped3A : memref<!tpu.dma_semaphore, #tpu.memory_space<semaphore_mem>>) src(%arg4 : memref<4x16xf32, #tpu.memory_space<hbm>>) dst(%arg10 : memref<4x16xf32, #tpu.memory_space<vmem>>)
      tpu.yield
    }) : () -> ()
    "tpu.region"() ({
      %run_scoped3A = tpu.sem_alloc : memref<!tpu.dma_semaphore, #tpu.memory_space<semaphore_mem>>
      tpu.enqueue_dma source(%arg5 : memref<4096xf32, #tpu.memory_space<hbm>>) target(%arg11 : memref<4096xf32, #tpu.memory_space<vmem>>) target_semaphore(%run_scoped3A : memref<!tpu.dma_semaphore, #tpu.memory_space<semaphore_mem>>)
      tpu.wait_dma2 semaphore(%run_scoped3A : memref<!tpu.dma_semaphore, #tpu.memory_space<semaphore_mem>>) src(%arg5 : memref<4096xf32, #tpu.memory_space<hbm>>) dst(%arg11 : memref<4096xf32, #tpu.memory_space<vmem>>)
      tpu.yield
    }) : () -> ()
    "tpu.region"() ({
      %run_scoped3A = tpu.sem_alloc : memref<!tpu.dma_semaphore, #tpu.memory_space<semaphore_mem>>
      tpu.enqueue_dma source(%arg6 : memref<4096xf32, #tpu.memory_space<hbm>>) target(%arg12 : memref<4096xf32, #tpu.memory_space<vmem>>) target_semaphore(%run_scoped3A : memref<!tpu.dma_semaphore, #tpu.memory_space<semaphore_mem>>)
      tpu.wait_dma2 semaphore(%run_scoped3A : memref<!tpu.dma_semaphore, #tpu.memory_space<semaphore_mem>>) src(%arg6 : memref<4096xf32, #tpu.memory_space<hbm>>) dst(%arg12 : memref<4096xf32, #tpu.memory_space<vmem>>)
      tpu.yield
    }) : () -> ()
    "tpu.region"() ({
      %run_scoped3A = tpu.sem_alloc : memref<!tpu.dma_semaphore, #tpu.memory_space<semaphore_mem>>
      tpu.enqueue_dma source(%arg7 : memref<4096xf32, #tpu.memory_space<hbm>>) target(%arg13 : memref<4096xf32, #tpu.memory_space<vmem>>) target_semaphore(%run_scoped3A : memref<!tpu.dma_semaphore, #tpu.memory_space<semaphore_mem>>)
      tpu.wait_dma2 semaphore(%run_scoped3A : memref<!tpu.dma_semaphore, #tpu.memory_space<semaphore_mem>>) src(%arg7 : memref<4096xf32, #tpu.memory_space<hbm>>) dst(%arg13 : memref<4096xf32, #tpu.memory_space<vmem>>)
      tpu.yield
    }) : () -> ()
    "tpu.region"() ({
      %run_scoped3A = tpu.sem_alloc : memref<!tpu.dma_semaphore, #tpu.memory_space<semaphore_mem>>
      tpu.enqueue_dma source(%arg8 : memref<4096xf32, #tpu.memory_space<hbm>>) target(%arg14 : memref<4096xf32, #tpu.memory_space<vmem>>) target_semaphore(%run_scoped3A : memref<!tpu.dma_semaphore, #tpu.memory_space<semaphore_mem>>)
      tpu.wait_dma2 semaphore(%run_scoped3A : memref<!tpu.dma_semaphore, #tpu.memory_space<semaphore_mem>>) src(%arg8 : memref<4096xf32, #tpu.memory_space<hbm>>) dst(%arg14 : memref<4096xf32, #tpu.memory_space<vmem>>)
      tpu.yield
    }) : () -> ()
    %get3A = arith.constant 0 : i32
    %get3A_3 = arith.index_cast %get3A : i32 to index
    %get3A_4 = arith.constant 0 : index
    %get3A_5 = tpu.vector_load %arg10[%get3A_3, %get3A_4] {strides = array<i32>} : memref<4x16xf32, #tpu.memory_space<vmem>>, vector<16xf32>,
    %get3A_6 = arith.constant 1 : i32
    %get3A_7 = arith.index_cast %get3A_6 : i32 to index
    %get3A_8 = arith.constant 0 : index
    %get3A_9 = tpu.vector_load %arg10[%get3A_7, %get3A_8] {strides = array<i32>} : memref<4x16xf32, #tpu.memory_space<vmem>>, vector<16xf32>,
    %get3A_10 = arith.constant 2 : i32
    %get3A_11 = arith.index_cast %get3A_10 : i32 to index
    %get3A_12 = arith.constant 0 : index
    %get3A_13 = tpu.vector_load %arg10[%get3A_11, %get3A_12] {strides = array<i32>} : memref<4x16xf32, #tpu.memory_space<vmem>>, vector<16xf32>,
    %get3A_14 = arith.constant 3 : i32
    %get3A_15 = arith.index_cast %get3A_14 : i32 to index
    %get3A_16 = arith.constant 0 : index
    %get3A_17 = tpu.vector_load %arg10[%get3A_15, %get3A_16] {strides = array<i32>} : memref<4x16xf32, #tpu.memory_space<vmem>>, vector<16xf32>,
    %iota3A = tpu.iota {dimensions = array<i32: 0>} : vector<16xi32>
    %add3A_18 = arith.constant 0 : i32
    %add3A_19 = arith.addi %mul3A_2, %add3A_18 : i32
    %dma_start3A = tpu.memref_slice %arg2[%add3A_19] : memref<4194304xf32, #tpu.memory_space<hbm>> -> memref<4096xf32, #tpu.memory_space<hbm>>
    %dma_start3A_20 = tpu.memref_slice %arg2[%add3A_19] : memref<4194304xf32, #tpu.memory_space<hbm>> -> memref<4096xf32, #tpu.memory_space<hbm>>
    tpu.enqueue_dma source(%dma_start3A_20 : memref<4096xf32, #tpu.memory_space<hbm>>) target(%arg15 : memref<4096xf32, #tpu.memory_space<vmem>>) target_semaphore(%arg21 : memref<!tpu.dma_semaphore, #tpu.memory_space<semaphore_mem>>)
    %dma_start3A_21 = tpu.memref_slice %arg3[%add3A_19] : memref<4194304xf32, #tpu.memory_space<hbm>> -> memref<4096xf32, #tpu.memory_space<hbm>>
    %dma_start3A_22 = tpu.memref_slice %arg3[%add3A_19] : memref<4194304xf32, #tpu.memory_space<hbm>> -> memref<4096xf32, #tpu.memory_space<hbm>>
    tpu.enqueue_dma source(%dma_start3A_22 : memref<4096xf32, #tpu.memory_space<hbm>>) target(%arg17 : memref<4096xf32, #tpu.memory_space<vmem>>) target_semaphore(%arg23 : memref<!tpu.dma_semaphore, #tpu.memory_space<semaphore_mem>>)
    %add3A_23 = arith.constant 4096 : i32
    %add3A_24 = arith.addi %mul3A_2, %add3A_23 : i32
    %dma_start3A_25 = tpu.memref_slice %arg2[%add3A_24] : memref<4194304xf32, #tpu.memory_space<hbm>> -> memref<4096xf32, #tpu.memory_space<hbm>>
    %dma_start3A_26 = tpu.memref_slice %arg2[%add3A_24] : memref<4194304xf32, #tpu.memory_space<hbm>> -> memref<4096xf32, #tpu.memory_space<hbm>>
    tpu.enqueue_dma source(%dma_start3A_26 : memref<4096xf32, #tpu.memory_space<hbm>>) target(%arg16 : memref<4096xf32, #tpu.memory_space<vmem>>) target_semaphore(%arg22 : memref<!tpu.dma_semaphore, #tpu.memory_space<semaphore_mem>>)
    %dma_start3A_27 = tpu.memref_slice %arg3[%add3A_24] : memref<4194304xf32, #tpu.memory_space<hbm>> -> memref<4096xf32, #tpu.memory_space<hbm>>
    %dma_start3A_28 = tpu.memref_slice %arg3[%add3A_24] : memref<4194304xf32, #tpu.memory_space<hbm>> -> memref<4096xf32, #tpu.memory_space<hbm>>
    tpu.enqueue_dma source(%dma_start3A_28 : memref<4096xf32, #tpu.memory_space<hbm>>) target(%arg18 : memref<4096xf32, #tpu.memory_space<vmem>>) target_semaphore(%arg24 : memref<!tpu.dma_semaphore, #tpu.memory_space<semaphore_mem>>)
    %scan3A = arith.constant 0 : i32
    %scan3A_29 = arith.constant 0 : i32
    %scan3A_30 = arith.constant 16 : i32
    %scan3A_31 = arith.addi %scan3A_29, %scan3A_30 : i32
    %scan3A_32 = arith.constant 1 : i32
    %scan3A_33 = scf.for %scan3A_42 = %scan3A_29 to %scan3A_31 step %scan3A_32 iter_args(%scan3A_43 = %scan3A) -> (i32)  : i32 {
      %mul3A_44 = arith.constant 2 : i32
      %mul3A_45 = arith.muli %scan3A_42, %mul3A_44 : i32
      %add3A_46 = arith.constant 0 : i32
      %add3A_47 = arith.addi %mul3A_45, %add3A_46 : i32
      %mul3A_48 = arith.constant 4096 : i32
      %mul3A_49 = arith.muli %add3A_47, %mul3A_48 : i32
      %add3A_50 = arith.addi %mul3A_2, %mul3A_49 : i32
      %dma_wait3A_51 = tpu.memref_slice %arg2[%add3A_50] : memref<4194304xf32, #tpu.memory_space<hbm>> -> memref<4096xf32, #tpu.memory_space<hbm>>
      %dma_wait3A_52 = tpu.memref_slice %arg2[%add3A_50] : memref<4194304xf32, #tpu.memory_space<hbm>> -> memref<4096xf32, #tpu.memory_space<hbm>>
      tpu.wait_dma2 semaphore(%arg21 : memref<!tpu.dma_semaphore, #tpu.memory_space<semaphore_mem>>) src(%dma_wait3A_52 : memref<4096xf32, #tpu.memory_space<hbm>>) dst(%arg15 : memref<4096xf32, #tpu.memory_space<vmem>>)
      %dma_wait3A_53 = tpu.memref_slice %arg3[%add3A_50] : memref<4194304xf32, #tpu.memory_space<hbm>> -> memref<4096xf32, #tpu.memory_space<hbm>>
      %dma_wait3A_54 = tpu.memref_slice %arg3[%add3A_50] : memref<4194304xf32, #tpu.memory_space<hbm>> -> memref<4096xf32, #tpu.memory_space<hbm>>
      tpu.wait_dma2 semaphore(%arg23 : memref<!tpu.dma_semaphore, #tpu.memory_space<semaphore_mem>>) src(%dma_wait3A_54 : memref<4096xf32, #tpu.memory_space<hbm>>) dst(%arg17 : memref<4096xf32, #tpu.memory_space<vmem>>)
      %ge3A = arith.constant 2 : i32
      %ge3A_55 = arith.cmpi sge, %add3A_47, %ge3A : i32
      %convert_element_type3A = arith.extui %ge3A_55 : i1 to i32
      %cond3A = arith.constant 0 : i32
      %cond3A_56 = arith.cmpi ne, %convert_element_type3A, %cond3A : i32
      scf.if %cond3A_56 {
        %sub3A = arith.constant 8192 : i32
        %sub3A_94 = arith.subi %add3A_50, %sub3A : i32
        %dma_wait3A_95 = tpu.memref_slice %arg9[%sub3A_94] : memref<4194304xf32, #tpu.memory_space<hbm>> -> memref<4096xf32, #tpu.memory_space<hbm>>
        %dma_wait3A_96 = tpu.memref_slice %arg9[%sub3A_94] : memref<4194304xf32, #tpu.memory_space<hbm>> -> memref<4096xf32, #tpu.memory_space<hbm>>
        tpu.wait_dma2 semaphore(%arg25 : memref<!tpu.dma_semaphore, #tpu.memory_space<semaphore_mem>>) src(%arg19 : memref<4096xf32, #tpu.memory_space<vmem>>) dst(%dma_wait3A_96 : memref<4096xf32, #tpu.memory_space<hbm>>)
      } else {
      }
      %parallel_loop3A = arith.constant 0 : i32
      %parallel_loop3A_57 = arith.constant 4096 : i32
      %parallel_loop3A_58 = arith.constant 16 : i32
      scf.for %parallel_loop3A_94 = %parallel_loop3A to %parallel_loop3A_57 step %parallel_loop3A_58  : i32 {
        %parallel_loop3A_95 = arith.index_cast %parallel_loop3A_94 : i32 to index
        %parallel_loop3A_96 = tpu.vector_load %arg15[%parallel_loop3A_95] {strides = array<i32>} : memref<4096xf32, #tpu.memory_space<vmem>>, vector<16xf32>,
        %parallel_loop3A_97 = arith.index_cast %parallel_loop3A_94 : i32 to index
        %parallel_loop3A_98 = tpu.vector_load %arg17[%parallel_loop3A_97] {strides = array<i32>} : memref<4096xf32, #tpu.memory_space<vmem>>, vector<16xf32>,
        %parallel_loop3A_99 = arith.mulf %parallel_loop3A_96, %get3A_5 : vector<16xf32>
        %parallel_loop3A_100 = arith.addf %parallel_loop3A_99, %get3A_9 : vector<16xf32>
        %parallel_loop3A_101 = arith.mulf %parallel_loop3A_98, %get3A_13 : vector<16xf32>
        %parallel_loop3A_102 = arith.addf %parallel_loop3A_101, %get3A_17 : vector<16xf32>
        %parallel_loop3A_103 = arith.fptosi %parallel_loop3A_100 : vector<16xf32> to vector<16xi32>
        %parallel_loop3A_104 = arith.constant 11 : i32
        %parallel_loop3A_105 = vector.broadcast %parallel_loop3A_104 : i32 to vector<16xi32>
        %parallel_loop3A_106 = arith.minsi %parallel_loop3A_103, %parallel_loop3A_105 : vector<16xi32>
        %parallel_loop3A_107 = arith.fptosi %parallel_loop3A_102 : vector<16xf32> to vector<16xi32>
        %parallel_loop3A_108 = arith.constant 9 : i32
        %parallel_loop3A_109 = vector.broadcast %parallel_loop3A_108 : i32 to vector<16xi32>
        %parallel_loop3A_110 = arith.minsi %parallel_loop3A_107, %parallel_loop3A_109 : vector<16xi32>
        %parallel_loop3A_111 = arith.sitofp %parallel_loop3A_106 : vector<16xi32> to vector<16xf32>
        %parallel_loop3A_112 = arith.subf %parallel_loop3A_100, %parallel_loop3A_111 : vector<16xf32>
        %parallel_loop3A_113 = arith.constant 0.000000e+00 : f32
        %parallel_loop3A_114 = vector.broadcast %parallel_loop3A_113 : f32 to vector<16xf32>
        %parallel_loop3A_115 = arith.maximumf %parallel_loop3A_112, %parallel_loop3A_114 : vector<16xf32>
        %parallel_loop3A_116 = arith.constant 1.000000e+00 : f32
        %parallel_loop3A_117 = vector.broadcast %parallel_loop3A_116 : f32 to vector<16xf32>
        %parallel_loop3A_118 = arith.minimumf %parallel_loop3A_115, %parallel_loop3A_117 : vector<16xf32>
        %parallel_loop3A_119 = arith.sitofp %parallel_loop3A_110 : vector<16xi32> to vector<16xf32>
        %parallel_loop3A_120 = arith.subf %parallel_loop3A_102, %parallel_loop3A_119 : vector<16xf32>
        %parallel_loop3A_121 = arith.constant 0.000000e+00 : f32
        %parallel_loop3A_122 = vector.broadcast %parallel_loop3A_121 : f32 to vector<16xf32>
        %parallel_loop3A_123 = arith.maximumf %parallel_loop3A_120, %parallel_loop3A_122 : vector<16xf32>
        %parallel_loop3A_124 = arith.constant 1.000000e+00 : f32
        %parallel_loop3A_125 = vector.broadcast %parallel_loop3A_124 : f32 to vector<16xf32>
        %parallel_loop3A_126 = arith.minimumf %parallel_loop3A_123, %parallel_loop3A_125 : vector<16xf32>
        %parallel_loop3A_127 = arith.constant 4 : i32
        %parallel_loop3A_128 = vector.broadcast %parallel_loop3A_127 : i32 to vector<16xi32>
        %parallel_loop3A_129 = arith.shli %parallel_loop3A_106, %parallel_loop3A_128 : vector<16xi32>
        %parallel_loop3A_130 = arith.addi %parallel_loop3A_129, %parallel_loop3A_110 : vector<16xi32>
        %parallel_loop3A_131 = arith.constant 4 : i32
        %parallel_loop3A_132 = vector.broadcast %parallel_loop3A_131 : i32 to vector<16xi32>
        %parallel_loop3A_133 = arith.shli %parallel_loop3A_130, %parallel_loop3A_132 : vector<16xi32>
        %parallel_loop3A_134 = arith.addi %parallel_loop3A_133, %iota3A : vector<16xi32>
        %parallel_loop3A_135 = tpu.vector_load_idx %arg11[%parallel_loop3A_134] : memref<4096xf32, #tpu.memory_space<vmem>>[vector<16xi32>], vector<16xf32>,
        %parallel_loop3A_136 = tpu.vector_load_idx %arg12[%parallel_loop3A_134] : memref<4096xf32, #tpu.memory_space<vmem>>[vector<16xi32>], vector<16xf32>,
        %parallel_loop3A_137 = tpu.vector_load_idx %arg13[%parallel_loop3A_134] : memref<4096xf32, #tpu.memory_space<vmem>>[vector<16xi32>], vector<16xf32>,
        %parallel_loop3A_138 = tpu.vector_load_idx %arg14[%parallel_loop3A_134] : memref<4096xf32, #tpu.memory_space<vmem>>[vector<16xi32>], vector<16xf32>,
        %parallel_loop3A_139 = arith.mulf %parallel_loop3A_118, %parallel_loop3A_136 : vector<16xf32>
        %parallel_loop3A_140 = arith.addf %parallel_loop3A_135, %parallel_loop3A_139 : vector<16xf32>
        %parallel_loop3A_141 = arith.mulf %parallel_loop3A_118, %parallel_loop3A_138 : vector<16xf32>
        %parallel_loop3A_142 = arith.addf %parallel_loop3A_137, %parallel_loop3A_141 : vector<16xf32>
        %parallel_loop3A_143 = arith.mulf %parallel_loop3A_126, %parallel_loop3A_142 : vector<16xf32>
        %parallel_loop3A_144 = arith.addf %parallel_loop3A_140, %parallel_loop3A_143 : vector<16xf32>
        %parallel_loop3A_145 = arith.index_cast %parallel_loop3A_94 : i32 to index
        %parallel_loop3A_146 = tpu.vector_load %arg19[%parallel_loop3A_145] {strides = array<i32>} : memref<4096xf32, #tpu.memory_space<vmem>>, vector<16xf32>,
        tpu.vector_store %arg19[%parallel_loop3A_145], %parallel_loop3A_144 {strides = array<i32>} : memref<4096xf32, #tpu.memory_space<vmem>>, vector<16xf32>,
      } {sc.loop_unroll_factor = 8 : i64, sc.parallel_access}
      %dma_start3A_59 = tpu.memref_slice %arg9[%add3A_50] : memref<4194304xf32, #tpu.memory_space<hbm>> -> memref<4096xf32, #tpu.memory_space<hbm>>
      %dma_start3A_60 = tpu.memref_slice %arg9[%add3A_50] : memref<4194304xf32, #tpu.memory_space<hbm>> -> memref<4096xf32, #tpu.memory_space<hbm>>
      tpu.enqueue_dma source(%arg19 : memref<4096xf32, #tpu.memory_space<vmem>>) target(%dma_start3A_60 : memref<4096xf32, #tpu.memory_space<hbm>>) target_semaphore(%arg25 : memref<!tpu.dma_semaphore, #tpu.memory_space<semaphore_mem>>)
      %add3A_61 = arith.constant 2 : i32
      %add3A_62 = arith.addi %add3A_47, %add3A_61 : i32
      %lt3A = arith.constant 32 : i32
      %lt3A_63 = arith.cmpi slt, %add3A_62, %lt3A : i32
      %convert_element_type3A_64 = arith.extui %lt3A_63 : i1 to i32
      %cond3A_65 = arith.constant 0 : i32
      %cond3A_66 = arith.cmpi ne, %convert_element_type3A_64, %cond3A_65 : i32
      scf.if %cond3A_66 {
        %add3A_94 = arith.constant 8192 : i32
        %add3A_95 = arith.addi %add3A_50, %add3A_94 : i32
        %dma_start3A_96 = tpu.memref_slice %arg2[%add3A_95] : memref<4194304xf32, #tpu.memory_space<hbm>> -> memref<4096xf32, #tpu.memory_space<hbm>>
        %dma_start3A_97 = tpu.memref_slice %arg2[%add3A_95] : memref<4194304xf32, #tpu.memory_space<hbm>> -> memref<4096xf32, #tpu.memory_space<hbm>>
        tpu.enqueue_dma source(%dma_start3A_97 : memref<4096xf32, #tpu.memory_space<hbm>>) target(%arg15 : memref<4096xf32, #tpu.memory_space<vmem>>) target_semaphore(%arg21 : memref<!tpu.dma_semaphore, #tpu.memory_space<semaphore_mem>>)
        %dma_start3A_98 = tpu.memref_slice %arg3[%add3A_95] : memref<4194304xf32, #tpu.memory_space<hbm>> -> memref<4096xf32, #tpu.memory_space<hbm>>
        %dma_start3A_99 = tpu.memref_slice %arg3[%add3A_95] : memref<4194304xf32, #tpu.memory_space<hbm>> -> memref<4096xf32, #tpu.memory_space<hbm>>
        tpu.enqueue_dma source(%dma_start3A_99 : memref<4096xf32, #tpu.memory_space<hbm>>) target(%arg17 : memref<4096xf32, #tpu.memory_space<vmem>>) target_semaphore(%arg23 : memref<!tpu.dma_semaphore, #tpu.memory_space<semaphore_mem>>)
      } else {
      }
      %add3A_67 = arith.constant 1 : i32
      %add3A_68 = arith.addi %mul3A_45, %add3A_67 : i32
      %mul3A_69 = arith.constant 4096 : i32
      %mul3A_70 = arith.muli %add3A_68, %mul3A_69 : i32
      %add3A_71 = arith.addi %mul3A_2, %mul3A_70 : i32
      %dma_wait3A_72 = tpu.memref_slice %arg2[%add3A_71] : memref<4194304xf32, #tpu.memory_space<hbm>> -> memref<4096xf32, #tpu.memory_space<hbm>>
      %dma_wait3A_73 = tpu.memref_slice %arg2[%add3A_71] : memref<4194304xf32, #tpu.memory_space<hbm>> -> memref<4096xf32, #tpu.memory_space<hbm>>
      tpu.wait_dma2 semaphore(%arg22 : memref<!tpu.dma_semaphore, #tpu.memory_space<semaphore_mem>>) src(%dma_wait3A_73 : memref<4096xf32, #tpu.memory_space<hbm>>) dst(%arg16 : memref<4096xf32, #tpu.memory_space<vmem>>)
      %dma_wait3A_74 = tpu.memref_slice %arg3[%add3A_71] : memref<4194304xf32, #tpu.memory_space<hbm>> -> memref<4096xf32, #tpu.memory_space<hbm>>
      %dma_wait3A_75 = tpu.memref_slice %arg3[%add3A_71] : memref<4194304xf32, #tpu.memory_space<hbm>> -> memref<4096xf32, #tpu.memory_space<hbm>>
      tpu.wait_dma2 semaphore(%arg24 : memref<!tpu.dma_semaphore, #tpu.memory_space<semaphore_mem>>) src(%dma_wait3A_75 : memref<4096xf32, #tpu.memory_space<hbm>>) dst(%arg18 : memref<4096xf32, #tpu.memory_space<vmem>>)
      %ge3A_76 = arith.constant 2 : i32
      %ge3A_77 = arith.cmpi sge, %add3A_68, %ge3A_76 : i32
      %convert_element_type3A_78 = arith.extui %ge3A_77 : i1 to i32
      %cond3A_79 = arith.constant 0 : i32
      %cond3A_80 = arith.cmpi ne, %convert_element_type3A_78, %cond3A_79 : i32
      scf.if %cond3A_80 {
        %sub3A = arith.constant 8192 : i32
        %sub3A_94 = arith.subi %add3A_71, %sub3A : i32
        %dma_wait3A_95 = tpu.memref_slice %arg9[%sub3A_94] : memref<4194304xf32, #tpu.memory_space<hbm>> -> memref<4096xf32, #tpu.memory_space<hbm>>
        %dma_wait3A_96 = tpu.memref_slice %arg9[%sub3A_94] : memref<4194304xf32, #tpu.memory_space<hbm>> -> memref<4096xf32, #tpu.memory_space<hbm>>
        tpu.wait_dma2 semaphore(%arg26 : memref<!tpu.dma_semaphore, #tpu.memory_space<semaphore_mem>>) src(%arg20 : memref<4096xf32, #tpu.memory_space<vmem>>) dst(%dma_wait3A_96 : memref<4096xf32, #tpu.memory_space<hbm>>)
      } else {
      }
      %parallel_loop3A_81 = arith.constant 0 : i32
      %parallel_loop3A_82 = arith.constant 4096 : i32
      %parallel_loop3A_83 = arith.constant 16 : i32
      scf.for %parallel_loop3A_94 = %parallel_loop3A_81 to %parallel_loop3A_82 step %parallel_loop3A_83  : i32 {
        %parallel_loop3A_95 = arith.index_cast %parallel_loop3A_94 : i32 to index
        %parallel_loop3A_96 = tpu.vector_load %arg16[%parallel_loop3A_95] {strides = array<i32>} : memref<4096xf32, #tpu.memory_space<vmem>>, vector<16xf32>,
        %parallel_loop3A_97 = arith.index_cast %parallel_loop3A_94 : i32 to index
        %parallel_loop3A_98 = tpu.vector_load %arg18[%parallel_loop3A_97] {strides = array<i32>} : memref<4096xf32, #tpu.memory_space<vmem>>, vector<16xf32>,
        %parallel_loop3A_99 = arith.mulf %parallel_loop3A_96, %get3A_5 : vector<16xf32>
        %parallel_loop3A_100 = arith.addf %parallel_loop3A_99, %get3A_9 : vector<16xf32>
        %parallel_loop3A_101 = arith.mulf %parallel_loop3A_98, %get3A_13 : vector<16xf32>
        %parallel_loop3A_102 = arith.addf %parallel_loop3A_101, %get3A_17 : vector<16xf32>
        %parallel_loop3A_103 = arith.fptosi %parallel_loop3A_100 : vector<16xf32> to vector<16xi32>
        %parallel_loop3A_104 = arith.constant 11 : i32
        %parallel_loop3A_105 = vector.broadcast %parallel_loop3A_104 : i32 to vector<16xi32>
        %parallel_loop3A_106 = arith.minsi %parallel_loop3A_103, %parallel_loop3A_105 : vector<16xi32>
        %parallel_loop3A_107 = arith.fptosi %parallel_loop3A_102 : vector<16xf32> to vector<16xi32>
        %parallel_loop3A_108 = arith.constant 9 : i32
        %parallel_loop3A_109 = vector.broadcast %parallel_loop3A_108 : i32 to vector<16xi32>
        %parallel_loop3A_110 = arith.minsi %parallel_loop3A_107, %parallel_loop3A_109 : vector<16xi32>
        %parallel_loop3A_111 = arith.sitofp %parallel_loop3A_106 : vector<16xi32> to vector<16xf32>
        %parallel_loop3A_112 = arith.subf %parallel_loop3A_100, %parallel_loop3A_111 : vector<16xf32>
        %parallel_loop3A_113 = arith.constant 0.000000e+00 : f32
        %parallel_loop3A_114 = vector.broadcast %parallel_loop3A_113 : f32 to vector<16xf32>
        %parallel_loop3A_115 = arith.maximumf %parallel_loop3A_112, %parallel_loop3A_114 : vector<16xf32>
        %parallel_loop3A_116 = arith.constant 1.000000e+00 : f32
        %parallel_loop3A_117 = vector.broadcast %parallel_loop3A_116 : f32 to vector<16xf32>
        %parallel_loop3A_118 = arith.minimumf %parallel_loop3A_115, %parallel_loop3A_117 : vector<16xf32>
        %parallel_loop3A_119 = arith.sitofp %parallel_loop3A_110 : vector<16xi32> to vector<16xf32>
        %parallel_loop3A_120 = arith.subf %parallel_loop3A_102, %parallel_loop3A_119 : vector<16xf32>
        %parallel_loop3A_121 = arith.constant 0.000000e+00 : f32
        %parallel_loop3A_122 = vector.broadcast %parallel_loop3A_121 : f32 to vector<16xf32>
        %parallel_loop3A_123 = arith.maximumf %parallel_loop3A_120, %parallel_loop3A_122 : vector<16xf32>
        %parallel_loop3A_124 = arith.constant 1.000000e+00 : f32
        %parallel_loop3A_125 = vector.broadcast %parallel_loop3A_124 : f32 to vector<16xf32>
        %parallel_loop3A_126 = arith.minimumf %parallel_loop3A_123, %parallel_loop3A_125 : vector<16xf32>
        %parallel_loop3A_127 = arith.constant 4 : i32
        %parallel_loop3A_128 = vector.broadcast %parallel_loop3A_127 : i32 to vector<16xi32>
        %parallel_loop3A_129 = arith.shli %parallel_loop3A_106, %parallel_loop3A_128 : vector<16xi32>
        %parallel_loop3A_130 = arith.addi %parallel_loop3A_129, %parallel_loop3A_110 : vector<16xi32>
        %parallel_loop3A_131 = arith.constant 4 : i32
        %parallel_loop3A_132 = vector.broadcast %parallel_loop3A_131 : i32 to vector<16xi32>
        %parallel_loop3A_133 = arith.shli %parallel_loop3A_130, %parallel_loop3A_132 : vector<16xi32>
        %parallel_loop3A_134 = arith.addi %parallel_loop3A_133, %iota3A : vector<16xi32>
        %parallel_loop3A_135 = tpu.vector_load_idx %arg11[%parallel_loop3A_134] : memref<4096xf32, #tpu.memory_space<vmem>>[vector<16xi32>], vector<16xf32>,
        %parallel_loop3A_136 = tpu.vector_load_idx %arg12[%parallel_loop3A_134] : memref<4096xf32, #tpu.memory_space<vmem>>[vector<16xi32>], vector<16xf32>,
        %parallel_loop3A_137 = tpu.vector_load_idx %arg13[%parallel_loop3A_134] : memref<4096xf32, #tpu.memory_space<vmem>>[vector<16xi32>], vector<16xf32>,
        %parallel_loop3A_138 = tpu.vector_load_idx %arg14[%parallel_loop3A_134] : memref<4096xf32, #tpu.memory_space<vmem>>[vector<16xi32>], vector<16xf32>,
        %parallel_loop3A_139 = arith.mulf %parallel_loop3A_118, %parallel_loop3A_136 : vector<16xf32>
        %parallel_loop3A_140 = arith.addf %parallel_loop3A_135, %parallel_loop3A_139 : vector<16xf32>
        %parallel_loop3A_141 = arith.mulf %parallel_loop3A_118, %parallel_loop3A_138 : vector<16xf32>
        %parallel_loop3A_142 = arith.addf %parallel_loop3A_137, %parallel_loop3A_141 : vector<16xf32>
        %parallel_loop3A_143 = arith.mulf %parallel_loop3A_126, %parallel_loop3A_142 : vector<16xf32>
        %parallel_loop3A_144 = arith.addf %parallel_loop3A_140, %parallel_loop3A_143 : vector<16xf32>
        %parallel_loop3A_145 = arith.index_cast %parallel_loop3A_94 : i32 to index
        %parallel_loop3A_146 = tpu.vector_load %arg20[%parallel_loop3A_145] {strides = array<i32>} : memref<4096xf32, #tpu.memory_space<vmem>>, vector<16xf32>,
        tpu.vector_store %arg20[%parallel_loop3A_145], %parallel_loop3A_144 {strides = array<i32>} : memref<4096xf32, #tpu.memory_space<vmem>>, vector<16xf32>,
      } {sc.loop_unroll_factor = 8 : i64, sc.parallel_access}
      %dma_start3A_84 = tpu.memref_slice %arg9[%add3A_71] : memref<4194304xf32, #tpu.memory_space<hbm>> -> memref<4096xf32, #tpu.memory_space<hbm>>
      %dma_start3A_85 = tpu.memref_slice %arg9[%add3A_71] : memref<4194304xf32, #tpu.memory_space<hbm>> -> memref<4096xf32, #tpu.memory_space<hbm>>
      tpu.enqueue_dma source(%arg20 : memref<4096xf32, #tpu.memory_space<vmem>>) target(%dma_start3A_85 : memref<4096xf32, #tpu.memory_space<hbm>>) target_semaphore(%arg26 : memref<!tpu.dma_semaphore, #tpu.memory_space<semaphore_mem>>)
      %add3A_86 = arith.constant 2 : i32
      %add3A_87 = arith.addi %add3A_68, %add3A_86 : i32
      %lt3A_88 = arith.constant 32 : i32
      %lt3A_89 = arith.cmpi slt, %add3A_87, %lt3A_88 : i32
      %convert_element_type3A_90 = arith.extui %lt3A_89 : i1 to i32
      %cond3A_91 = arith.constant 0 : i32
      %cond3A_92 = arith.cmpi ne, %convert_element_type3A_90, %cond3A_91 : i32
      scf.if %cond3A_92 {
        %add3A_94 = arith.constant 8192 : i32
        %add3A_95 = arith.addi %add3A_71, %add3A_94 : i32
        %dma_start3A_96 = tpu.memref_slice %arg2[%add3A_95] : memref<4194304xf32, #tpu.memory_space<hbm>> -> memref<4096xf32, #tpu.memory_space<hbm>>
        %dma_start3A_97 = tpu.memref_slice %arg2[%add3A_95] : memref<4194304xf32, #tpu.memory_space<hbm>> -> memref<4096xf32, #tpu.memory_space<hbm>>
        tpu.enqueue_dma source(%dma_start3A_97 : memref<4096xf32, #tpu.memory_space<hbm>>) target(%arg16 : memref<4096xf32, #tpu.memory_space<vmem>>) target_semaphore(%arg22 : memref<!tpu.dma_semaphore, #tpu.memory_space<semaphore_mem>>)
        %dma_start3A_98 = tpu.memref_slice %arg3[%add3A_95] : memref<4194304xf32, #tpu.memory_space<hbm>> -> memref<4096xf32, #tpu.memory_space<hbm>>
        %dma_start3A_99 = tpu.memref_slice %arg3[%add3A_95] : memref<4194304xf32, #tpu.memory_space<hbm>> -> memref<4096xf32, #tpu.memory_space<hbm>>
        tpu.enqueue_dma source(%dma_start3A_99 : memref<4096xf32, #tpu.memory_space<hbm>>) target(%arg18 : memref<4096xf32, #tpu.memory_space<vmem>>) target_semaphore(%arg24 : memref<!tpu.dma_semaphore, #tpu.memory_space<semaphore_mem>>)
      } else {
      }
      %scan3A_93 = arith.constant 0 : i32
      scf.yield %scan3A_93 : i32
    }
    %scan3A_34 = arith.constant 16 : i32
    %add3A_35 = arith.constant 122880 : i32
    %add3A_36 = arith.addi %mul3A_2, %add3A_35 : i32
    %dma_wait3A = tpu.memref_slice %arg9[%add3A_36] : memref<4194304xf32, #tpu.memory_space<hbm>> -> memref<4096xf32, #tpu.memory_space<hbm>>
    %dma_wait3A_37 = tpu.memref_slice %arg9[%add3A_36] : memref<4194304xf32, #tpu.memory_space<hbm>> -> memref<4096xf32, #tpu.memory_space<hbm>>
    tpu.wait_dma2 semaphore(%arg25 : memref<!tpu.dma_semaphore, #tpu.memory_space<semaphore_mem>>) src(%arg19 : memref<4096xf32, #tpu.memory_space<vmem>>) dst(%dma_wait3A_37 : memref<4096xf32, #tpu.memory_space<hbm>>)
    %add3A_38 = arith.constant 126976 : i32
    %add3A_39 = arith.addi %mul3A_2, %add3A_38 : i32
    %dma_wait3A_40 = tpu.memref_slice %arg9[%add3A_39] : memref<4194304xf32, #tpu.memory_space<hbm>> -> memref<4096xf32, #tpu.memory_space<hbm>>
    %dma_wait3A_41 = tpu.memref_slice %arg9[%add3A_39] : memref<4194304xf32, #tpu.memory_space<hbm>> -> memref<4096xf32, #tpu.memory_space<hbm>>
    tpu.wait_dma2 semaphore(%arg26 : memref<!tpu.dma_semaphore, #tpu.memory_space<semaphore_mem>>) src(%arg20 : memref<4096xf32, #tpu.memory_space<vmem>>) dst(%dma_wait3A_41 : memref<4096xf32, #tpu.memory_space<hbm>>)
    return
  }
}

</mosaic_0001>

<sc_bundles>
// kernel: kernel.3.cloned.1.call-start
scs
__scs_entry_jumppad:
0x0: {  	(pc) =	sbr.rel $0x88, $3  }
0x1: {  	(tag) =	ssettag $0x0;
	lr =	simm.s32 $0x1  }
0x2: {  	[smem:$0x3F9C] =	sst lr;
	_ =	strace $0xD0000000  }
0x3: {  	_ = 	snop  }
0x4: {  	_ = 	snop  }
0x5: {  	_ = 	snop  }
0x6: {  	_ = 	snop  }
0x7: {  	_ = 	snop  }
__scs_overlays_trampoline_lowered:
0x8: {  	[smem:$0x3FAB] =	sst s0  }
0x9: {  	[smem:$0x3FAC] =	sst s1  }
0xa: {  	[smem:$0x3FAD] =	sst s2  }
0xb: {  	[smem:$0x3FAE] =	sst s3  }
0xc: {  	[smem:$0x3FAF] =	sst s4  }
0xd: {  	[smem:$0x3FB0] =	sst s5  }
0xe: {  	[smem:$0x3FB1] =	sst s6  }
0xf: {  	[smem:$0x3FB2] =	sst s7  }
0x10: {  	[smem:$0x3FB3] =	sst s8  }
0x11: {  	[smem:$0x3FB4] =	sst s9;
	s0 =	simm.s32 @!p0 $0x0  }
0x12: {  	s1 =	sld [smem:$0x3F9A];
	s0 =	simm.s32 @p0 $0x1  }
0x13: {  	[smem:$0x3FB5] =	sst s0;
	s0 =	simm.s32 @!p1 $0x0  }
0x14: {  	s2 =	sld [smem:$0x3F99];
	s0 =	simm.s32 @p1 $0x1  }
0x15: {  	[smem:$0x3FB6] =	sst s0;
	s0 =	simm.s32 @!p2 $0x0  }
0x16: {  	s3 =	sld [smem:$0x3FDB];
	s0 =	simm.s32 @p2 $0x1  }
0x17: {  	s4 =	simm.s32 $0x1BF5;
	[smem:$0x3FB8] =	sst s0  }
0x18: {  	s0 =	sld [smem:$0x3F9B];
	_ =	swait.ge [sflag:s4], $0x0  }
0x19: {  	s7 =	sld [smem:$0x3F9C]  }
0x1a: {  	s8 =	sadd.s32 $0xFFFFE003, lr  }
0x1b: {  	s9 =	sadd.s32 $0xFFFFFEF7, lr;
	s5 =	simm.s32 $0xFFFFFFFF;
	p2 =	slt.u32 s8, $0xFFFFF086  }
0x1c: {  	p1 =	slt.u32 s9, $0xF7A;
	s5 =	simm.s32 @!p2 $0x0  }
0x1d: {  	s5 =	simm.s32 @p1 $0x1;
	p0 =	seq.s32 s7, s2  }
0x1e: {  	s7 =	smul.u32 @!p0 $0xF7A, s2;
	p2 =	seq.s32 @!p0 s5, $0x0  }
0x1f: {  	s9 =	smul.u32 $0xF7A, s1;
	s8 =	simm.s32 @!p0 $0x1BF5;
	p2 =	por !p2, p0  }
0x20: {  	[sflag:s8] =	ssyncset.s32 @!p0 $0xFFFFF086;
	s6 =	sadd.s32 @!p0 s3, s7;
	s7 =	simm.s32 @!p0 $0x108  }
0x21: {  	s3 =	sadd.s32 s3, s9;
	s6 =	sadd.s32 @!p0 $0x88, s6;
	s7 =	simm.s32 @p2 $0x1082  }
0x22: {  	[simem:s7], [sflag:s8] =	dma.local @!p0 [hbm:s6], $0xF7A  }
0x23: {  	s9 =	sor.u32 $0xD0000000, s2;
	s6 =	simm.s32 $0x108;
	_ =	swait.ge @!p0 [sflag:s8], $0x0  }
0x24: {  	s3 =	sadd.s32 $0x88, s3;
	s6 =	simm.s32 @!p1 $0x1082;
	[sflag:s4] =	ssyncset.s32 $0xFFFFF086  }
0x25: {  	[simem:s6], [sflag:s4] =	dma.local [hbm:s3], $0xF7A  }
0x26: {  	[smem:$0x3F9C] =	sst s1;
	(tag) =	ssettag s2;
	_ =	strace s9  }
0x27: {  	s1 =	sld [smem:$0x3FAC]  }
0x28: {  	s2 =	sld [smem:$0x3FAD]  }
0x29: {  	s4 =	sld [smem:$0x3FAF]  }
0x2a: {  	p0 =	seq.s32 s5, $0x0;
	s5 =	sld [smem:$0x3FB0]  }
0x2b: {  	s6 =	sld [smem:$0x3FB1]  }
0x2c: {  	s7 =	sld [smem:$0x3FB2]  }
0x2d: {  	s3 =	simm.s32 $0x108;
	s8 =	sld [smem:$0x3FB3]  }
0x2e: {  	s3 =	simm.s32 @!p0 $0x1082;
	s9 =	sld [smem:$0x3FB4]  }
0x2f: {  	lr =	sadd.s32 s0, s3;
	s0 =	sld [smem:$0x3FAB]  }
0x30: {  	s3 =	sld [smem:$0x3FAE]  }
0x31: {  	[smem:$0x3FB7] =	sst s10  }
0x32: {  	s10 =	sld [smem:$0x3FB5];
	_ =	sdelay $0x3  }
0x33: {  	p0 =	seq.s32 s10, $0x1;
	s10 =	sld [smem:$0x3FB7];
	_ =	sdelay $0x3  }
0x34: {  	[smem:$0x3FB7] =	sst s10  }
0x35: {  	s10 =	sld [smem:$0x3FB6];
	_ =	sdelay $0x3  }
0x36: {  	p1 =	seq.s32 s10, $0x1;
	s10 =	sld [smem:$0x3FB7];
	_ =	sdelay $0x3  }
0x37: {  	[smem:$0x3FB7] =	sst s10  }
0x38: {  	s10 =	sld [smem:$0x3FB8]  }
0x39: {  	_ = 	snop;
	(pc) =	sbr.ind lr, $3  }
0x3a: {  	_ = 	snop  }
0x3b: {  	_ = 	snop  }
0x3c: {  	p2 =	seq.s32 s10, $0x1;
	s10 =	sld [smem:$0x3FB7]  }
0x3d: {  	_ =	shalt  }
0x3e: {  	_ =	shalt  }
0x3f: {  	_ =	shalt  }
0x40: {  	_ =	shalt  }
0x41: {  	_ =	shalt  }
0x42: {  	_ =	shalt  }
0x43: {  	_ =	shalt  }
0x44: {  	_ =	shalt  }
0x45: {  	_ =	shalt  }
0x46: {  	_ =	shalt  }
0x47: {  	_ =	shalt  }
0x48: {  	_ =	shalt  }
0x49: {  	_ =	shalt  }
0x4a: {  	_ =	shalt  }
0x4b: {  	_ =	shalt  }
0x4c: {  	_ =	shalt  }
0x4d: {  	_ =	shalt  }
0x4e: {  	_ =	shalt  }
0x4f: {  	_ =	shalt  }
0x50: {  	_ =	shalt  }
0x51: {  	_ =	shalt  }
0x52: {  	_ =	shalt  }
0x53: {  	_ =	shalt  }
0x54: {  	_ =	shalt  }
0x55: {  	_ =	shalt  }
0x56: {  	_ =	shalt  }
0x57: {  	_ =	shalt  }
0x58: {  	_ =	shalt  }
0x59: {  	_ =	shalt  }
0x5a: {  	_ =	shalt  }
0x5b: {  	_ =	shalt  }
0x5c: {  	_ =	shalt  }
0x5d: {  	_ =	shalt  }
0x5e: {  	_ =	shalt  }
0x5f: {  	_ =	shalt  }
0x60: {  	_ =	shalt  }
0x61: {  	_ =	shalt  }
0x62: {  	_ =	shalt  }
0x63: {  	_ =	shalt  }
0x64: {  	_ =	shalt  }
0x65: {  	_ =	shalt  }
0x66: {  	_ =	shalt  }
0x67: {  	_ =	shalt  }
0x68: {  	_ =	shalt  }
0x69: {  	_ =	shalt  }
0x6a: {  	_ =	shalt  }
0x6b: {  	_ =	shalt  }
0x6c: {  	_ =	shalt  }
0x6d: {  	_ =	shalt  }
0x6e: {  	_ =	shalt  }
0x6f: {  	_ =	shalt  }
0x70: {  	_ =	shalt  }
0x71: {  	_ =	shalt  }
0x72: {  	_ =	shalt  }
0x73: {  	_ =	shalt  }
0x74: {  	_ =	shalt  }
0x75: {  	_ =	shalt  }
0x76: {  	_ =	shalt  }
0x77: {  	_ =	shalt  }
0x78: {  	_ =	shalt  }
0x79: {  	_ =	shalt  }
0x7a: {  	_ =	shalt  }
0x7b: {  	_ =	shalt  }
0x7c: {  	_ =	shalt  }
0x7d: {  	_ =	shalt  }
0x7e: {  	_ =	shalt  }
0x7f: {  	_ =	shalt  }
0x80: {  	_ =	shalt  }
0x81: {  	_ =	shalt  }
0x82: {  	_ =	shalt  }
0x83: {  	_ =	shalt  }
0x84: {  	_ =	shalt  }
0x85: {  	_ =	shalt  }
0x86: {  	_ =	shalt  }
0x87: {  	_ =	shalt  }
.Lfunc_end0:
.L_simem_size_0:
called_computation_lowered:
.L_overlay_start_0:
0x88: {  	s2 =	sld [smem:$0x3FD9]  }
0x89: {  	s3 =	sld [smem:$0x3FFE];
	_ =	sdelay $0x1  }
0x8a: {  	s1 =	srdreg.scid  }
0x8b: {  	s0 =	sand.u32 $0x1, s1  }
0x8c: {  	s17 =	sshll.u32 s0, $0xA;
	s2 =	sadd.s32 s3, s2  }
0x8d: {  	s2 =	sadd.s32 s2, s17  }
0x8e: {  	[smem:$0x3FC3] =	sst s2  }
0x8f: {  	_ = 	snop  }
0x90: {  	s2 =	sld [smem:$0x3FC9]  }
0x91: {  	s18 =	sld [smem:$0x3FC8]  }
0x92: {  	s4 =	sld [smem:$0x3FD0];
	(tm) =	ssettm $0x1  }
0x93: {  	s5 =	sld [smem:$0x3FFB];
	_ =	sdelay $0x3  }
0x94: {  	_ =	strace s5  }
0x95: {  	s5 =	sld [smem:$0x3FFC];
	_ =	sdelay $0x3  }
0x96: {  	_ =	strace s5  }
0x97: {  	s5 =	sld [smem:$0x3FFD];
	_ =	sdelay $0x3  }
0x98: {  	_ =	strace s5  }
0x99: {  	_ =	strace $0x8FFFFFFF  }
0x9a: {  	s19 =	sld [smem:$0x3FDB];
	_ =	sdelay $0x1  }
0x9b: {  	s6 =	simm.s32 $_scs_section_size  }
0x9c: {  	s7 =	simm.s32 $_size__tile_overlayer_lowered;
	s8 =	simm.s32 $_tile_overlayer_lowered  }
0x9d: {  	s22 =	simm.s32 $0x1BFF;
	s21 =	sshll.u32 s8, $0x1;
	s5 =	sadd.s32 s6, s19  }
0x9e: {  	s9 =	simm.s32 $0x0;
	s20 =	sshll.u32 s7, $0x1;
	s7 =	sadd.s32 s21, s5  }
0x9f: {  	[timem:s9], [sflag:s22] =	dma.local [hbm:s7], s20  }
0xa0: {  	_ =	swait.ge [sflag:s22], s20  }
0xa1: {  	s6 =	ssub.s32 $0x0, s20;
	[sflag:s22] =	ssyncset.done $0x0  }
0xa2: {  	[sflag:s22] =	ssyncadd.s32 s6;
	_ =	sdelay $0x1  }
0xa3: {  	s23 =	simm.s32 $0x1B8B  }
0xa4: {  	_ =	swait.ge [sflag:s23], $0x1  }
0xa5: {  	[sflag:s23] =	ssyncset.done $0x0  }
0xa6: {  	s25 =	simm.s32 $0x1B8E;
	s24 =	sld [smem:$0x3FFE];
	[sflag:s23] =	ssyncadd.s32 $0xFFFFFFFF  }
0xa7: {  	s26 =	simm.s32 $execute0_lowered;
	[smem:$0x3FD2] =	sst s25  }
0xa8: {  	s7 =	sshll.u32 s26, $0x1;
	_ =	strace $0x80000046;
	[dreg:$0x1] =	wrdreg $0xFFFFFFFF  }
0xa9: {  	s28 =	simm.s32 $_size_execute0_lowered;
	s5 =	sadd.s32 s5, s7;
	[dreg:$0x0] =	wrdreg $0x0  }
0xaa: {  	s7 =	sshll.u32 s28, $0x1;
	[dreg:$0x2] =	wrdreg s5  }
0xab: {  	[dreg:$0x3] =	wrdreg s7  }
0xac: {  	[dreg:$0x4] =	wrdreg $0xC0  }
0xad: {  	_ =	task [dreg:s9], $0x5FFFF  }
0xae: {  	[dreg:$0x1] =	wrdreg $0xFFFFFFFF  }
0xaf: {  	[dreg:$0x0] =	wrdreg $0x60  }
0xb0: {  	[dreg:$0x2] =	wrdreg s2  }
0xb1: {  	[dreg:$0x3] =	wrdreg s18  }
0xb2: {  	[dreg:$0x4] =	wrdreg s24  }
0xb3: {  	[dreg:$0x5] =	wrdreg s4  }
0xb4: {  	[dreg:$0x6] =	wrdreg $0x9  }
0xb5: {  	_ =	task.clear_ibuf [dreg:s9], $0x7FFFF;
	_ =	strace $0x90000046  }
0xb6: {  	s29 =	simm.s32 $0x9;
	_ =	strace $0x80000048  }
0xb7: {  	_ =	swait.ge [sflag:s29], $0x1  }
0xb8: {  	[sflag:s29] =	ssyncadd.s32 $0xFFFFFFFF  }
0xb9: {  	_ =	strace $0x90000048  }
0xba: {  	_ =	sfence  }
0xbb: {  	s30 =	sld [smem:$0x0];
	_ =	sdelay $0x2  }
0xbc: {  	s31 =	sshll.u32 s1, $0xD;
	s1 =	sshrl.u32 s1, $0x2  }
0xbd: {  	s3 =	sand.u32 $0x4000, s31;
	s1 =	sadd.s32 s1, s30  }
0xbe: {  	s0 =	sor.u32 s3, s0;
	s1 =	sshll.u32 s1, $0x11  }
0xbf: {  	s0 =	sor.u32 s1, s0  }
0xc0: {  	s0 =	sadd.s32 $0x8F2B, s0  }
0xc1: {  	[sflag:s0] =	ssyncadd.remote.s32 $0x1  }
0xc2: {  	_ =	sfence.sel $0xFFFF  }
0xc3: {  	[dreg:$0x0] =	wrdreg $0xFFFFFFFF;
	(pc) =	sbr.abs _section_cstart, $3  }
0xc4: {  	[dreg:$0x1] =	wrdreg $0xFFFFFFFF  }
0xc5: {  	_ =	task.clear_ibuf [dreg:s9], $0x2FFFF;
	_ =	strace $0x9FFFFFFF  }
0xc6: {  	(tm) =	ssettm $0x7FFFFFFF  }
0xc7: {  	_ =	shalt  }
tec
execute0_lowered:
.L_overlay_start_1:
0x0: {  	(tag) =	ssettag $0x1  }
0x1: {  	s1 =	rddreg [dreg:$0x0]  }
0x2: {  	s2 =	rddreg [dreg:$0x1]  }
0x3: {  	s0 =	rddreg [dreg:$0x2]  }
0x4: {  	s3 =	rddreg [dreg:$0x3]  }
0x5: {  	s4 =	simm.s32 $0x0;
	s21 =	srdreg.scid;
	s7 =	stileid.u32  }
0x6: {  	s17 =	simm.s32 $0x7;
	s18 =	simm.s32 $0x200;
	s19 =	simm.s32 $0x1200  }
0x7: {  	s28 =	simm.s32 $0x3;
	[smem:$0x7FF] =	sst s4;
	s5 =	sadd.s32 $0x1200, s0  }
0x8: {  	s20 =	sadd.s32 $0xA00, s0;
	_ =	strace $0x80000047;
	[dreg:$0x5] =	wrdreg s5  }
0x9: {  	s29 =	simm.s32 $0x8200;
	s6 =	sadd.s32 $0xC00, s0;
	[dreg:$0x6] =	wrdreg s20  }
0xa: {  	s30 =	simm.s32 $0x2;
	s8 =	sadd.s32 $0xE00, s0;
	[dreg:$0x7] =	wrdreg s6  }
0xb: {  	s31 =	simm.s32 $0x4;
	s0 =	sadd.s32 $0x1000, s0;
	[dreg:$0x8] =	wrdreg s8  }
0xc: {  	s7 =	sshll.u32 s7, $0x12;
	s5 =	sand.u32 $0x1, s21;
	[dreg:$0x9] =	wrdreg s0  }
0xd: {  	s20 =	simm.s32 $0x2200;
	s22 =	ssub.s32 $0x2, s5;
	s5 =	sshll.u32 s5, $0x11  }
0xe: {  	s21 =	simm.s32 $0x3200;
	s23 =	sshrl.u32 s22, $0x1;
	s10 =	sor.u32 s5, s7  }
0xf: {  	s0 =	simm.s32 $0x9200;
	s24 =	ssub.s32 s22, s23;
	s5 =	sshrl.u32 s10, $0x3  }
.Ltmp0:
0x10: {  	s22 =	simm.s32 $0x6;
	s23 =	simm.s32 $0x0;
	(pc) =	sbr.rel .LBB2_1-.Ltmp0, $4  }
0x11: {  	s25 =	sadd.s32 s1, s5;
	s26 =	sadd.s32 s2, s5;
	s5 =	sor.u32 $0x200, s5  }
0x12: {  	s16 =	smax.u32 s24, $0x1;
	s24 =	simm.s32 $0x5200;
	[dreg:$0xa] =	wrdreg s25  }
0x13: {  	[dreg:$0xb] =	wrdreg s26;
	s14 =	sadd.s32 s1, s5;
	s15 =	sadd.s32 s2, s5  }
0x14: {  	v0 =	vlaneseq.u32;
	s25 =	simm.s32 $0x7200;
	s26 =	simm.s32 $0x1;
	s5 =	simm.s32 $0x5  }
.LBB2_8:
0x15: {  	s23 =	sadd.s32 $0x1, s23  }
0x16: {  	_ =	swait.ge [sflag:s5], $0x1000;
	p0 =	sne.s32 s23, s16  }
.Ltmp1:
0x17: {  	[sflag:s5] =	ssyncset.done $0x0;
	(pc) =	sbr.rel @!p0 .LBB2_9-.Ltmp1, $4  }
0x18: {  	[sflag:s5] =	ssyncadd.s32 $0xFFFFF000  }
0x19: {  	_ =	swait.ge [sflag:s22], $0x1000  }
0x1a: {  	[sflag:s22] =	ssyncset.done $0x0  }
0x1b: {  	[sflag:s22] =	ssyncadd.s32 $0xFFFFF000  }
.LBB2_1:
0x1c: {  	s6 =	rddreg [dreg:$0x5]  }
0x1d: {  	[tilespmem:s4], [sflag:$0x7] =	stream.linear.gather [hbm4b:s6+s4], $0x200, $0x38;
	[tilespmem:$0xA200] =	vst v63  }
0x1e: {  	_ =	swait.ge [sflag:s17], $0x200  }
0x1f: {  	[sflag:s17] =	ssyncset.done $0x0  }
0x20: {  	s13 =	rddreg [dreg:$0x6];
	[sflag:s17] =	ssyncadd.s32 $0xFFFFFE00  }
0x21: {  	[tilespmem:s18], [sflag:$0x7] =	stream.linear.gather [hbm4b:s13+s4], $0x1000, $0x38;
	[tilespmem:$0xA200] =	vst v63  }
0x22: {  	_ =	swait.ge [sflag:s17], $0x1000  }
0x23: {  	[sflag:s17] =	ssyncset.done $0x0  }
0x24: {  	s7 =	rddreg [dreg:$0x7];
	[sflag:s17] =	ssyncadd.s32 $0xFFFFF000  }
0x25: {  	[tilespmem:s19], [sflag:$0x7] =	stream.linear.gather [hbm4b:s7+s4], $0x1000, $0x38;
	[tilespmem:$0xA200] =	vst v63  }
0x26: {  	_ =	swait.ge [sflag:s17], $0x1000  }
0x27: {  	[sflag:s17] =	ssyncset.done $0x0  }
0x28: {  	s8 =	rddreg [dreg:$0x8];
	[sflag:s17] =	ssyncadd.s32 $0xFFFFF000  }
0x29: {  	[tilespmem:s20], [sflag:$0x7] =	stream.linear.gather [hbm4b:s8+s4], $0x1000, $0x38;
	[tilespmem:$0xA200] =	vst v63  }
0x2a: {  	_ =	swait.ge [sflag:s17], $0x1000  }
0x2b: {  	[sflag:s17] =	ssyncset.done $0x0  }
0x2c: {  	s9 =	rddreg [dreg:$0x9];
	[sflag:s17] =	ssyncadd.s32 $0xFFFFF000  }
0x2d: {  	[tilespmem:s21], [sflag:$0x7] =	stream.linear.gather [hbm4b:s9+s4], $0x1000, $0x38;
	[tilespmem:$0xA200] =	vst v63  }
0x2e: {  	_ =	swait.ge [sflag:s17], $0x1000  }
0x2f: {  	[sflag:s17] =	ssyncset.done $0x0  }
0x30: {  	[sflag:s17] =	ssyncadd.s32 $0xFFFFF000  }
0x31: {  	v1 =	vld [tilespmem:$0x0]  }
0x32: {  	v2 =	vld [tilespmem:$0x80]  }
0x33: {  	s7 =	simm.s32 $0x4200;
	s11 =	rddreg [dreg:$0xa];
	v3 =	vld [tilespmem:$0x100]  }
0x34: {  	v4 =	vld [tilespmem:$0x180];
	[tilespmem:s7], [sflag:$0x1] =	stream.linear.gather [hbm4b:s11+s4], $0x1000, $0x38  }
0x35: {  	s13 =	simm.s32 $0x6200;
	s12 =	rddreg [dreg:$0xb]  }
0x36: {  	[tilespmem:s13], [sflag:$0x3] =	stream.linear.gather [hbm4b:s12+s4], $0x1000, $0x38;
	[tilespmem:$0xA200] =	vst v63  }
0x37: {  	_ = 	snop  }
0x38: {  	[tilespmem:s24], [sflag:$0x2] =	stream.linear.gather [hbm4b:s14+s4], $0x1000, $0x38;
	[tilespmem:$0xA200] =	vst v63  }
0x39: {  	s6 =	simm.s32 $0x0  }
0x3a: {  	[tilespmem:s25], [sflag:$0x4] =	stream.linear.gather [hbm4b:s15+s4], $0x1000, $0x38;
	[tilespmem:$0xA200] =	vst v63  }
.LBB2_2:
0x3b: {  	_ =	swait.ge [sflag:s26], $0x1000  }
0x3c: {  	[sflag:s26] =	ssyncset.done $0x0  }
0x3d: {  	[sflag:s26] =	ssyncadd.s32 $0xFFFFF000  }
0x3e: {  	_ =	swait.ge [sflag:s28], $0x1000  }
0x3f: {  	p0 =	seq.s32 s6, $0x0;
	[sflag:s28] =	ssyncset.done $0x0  }
0x40: {  	s7 =	simm.s32 @!p0 $0x5;
	[sflag:s28] =	ssyncadd.s32 $0xFFFFF000  }
0x41: {  	_ =	swait.ge @!p0 [sflag:s7], $0x1000  }
0x42: {  	[sflag:s7] =	ssyncset.done @!p0 $0x0  }
0x43: {  	s12 =	simm.s32 $0x4240;
	[sflag:s7] =	ssyncadd.s32 @!p0 $0xFFFFF000  }
0x44: {  	s8 =	simm.s32 $0x6240;
	v5 =	vld [tilespmem:s12+$0x30]  }
0x45: {  	v6 =	vld [tilespmem:s8+$0x30]  }
0x46: {  	v7 =	vld [tilespmem:s8+$0xFFFFFFC0]  }
0x47: {  	v8 =	vld [tilespmem:s12+$0xFFFFFFD0]  }
0x48: {  	v12 =	vld [tilespmem:s12+$0xFFFFFFF0]  }
0x49: {  	v13 =	vld [tilespmem:s8+$0xFFFFFFF0]  }
0x4a: {  	v19 =	vld [tilespmem:s12+$0x10]  }
0x4b: {  	v22 =	vld [tilespmem:s8+$0x20]  }
0x4c: {  	v9 =	vld [tilespmem:s8+$0xFFFFFFD0]  }
0x4d: {  	v5 =	vmul.f32 v5, v1;
	v6 =	vmul.f32 v6, v3  }
0x4e: {  	v10 =	vld [tilespmem:s12+$0xFFFFFFE0];
	v7 =	vmul.f32 v7, v3;
	v12 =	vmul.f32 v12, v1  }
0x4f: {  	v11 =	vld [tilespmem:s8+$0xFFFFFFE0];
	v13 =	vmul.f32 v13, v3;
	v26 =	vmul.f32 v19, v1  }
0x50: {  	v28 =	vmul.f32 v22, v3;
	v14 =	vadd.f32 v5, v2;
	v15 =	vadd.f32 v6, v4  }
0x51: {  	v6 =	vmul.f32 v8, v1;
	v8 =	vmul.f32 v9, v3;
	v5 =	vadd.f32 v7, v4  }
0x52: {  	v9 =	vld [tilespmem:s12+$0x0];
	v22 =	vadd.f32 v26, v2;
	v16 =	vtrunc.f32 v14;
	v17 =	vtrunc.f32 v15  }
0x53: {  	v7 =	vld [tilespmem:s8+$0x0];
	v18 =	vadd.f32 v6, v2;
	v6 =	vadd.f32 v8, v4;
	v8 =	vmul.f32 v10, v1  }
0x54: {  	v10 =	vmul.f32 v11, v3;
	v36 =	vtrunc.f32 v22  }
0x55: {  	v11 =	vld [tilespmem:s8+$0x10];
	v16 =	vcvt.f32.s32 v16;
	v17 =	vcvt.f32.s32 v17  }
0x56: {  	v49 =	vcvt.f32.s32 v36;
	v26 =	vtrunc.f32 v6  }
0x57: {  	v20 =	vld [tilespmem:s12+$0x20];
	vm0 =	vlt.s32 v16, $0xB;
	vm1 =	vlt.s32 v17, $0x9;
	v9 =	vmul.f32 v9, v1  }
0x58: {  	v25 =	vmul.f32 v7, v3;
	v16 =	vnsel vm0, $0xB, v16;
	v17 =	vnsel vm1, $0x9, v17  }
0x59: {  	v21 =	vld [tilespmem:s12+$0xFFFFFFC0];
	vm10 =	vlt.s32 v49, $0xB;
	v23 =	vshll.u32 v16, $0x8;
	v24 =	vshll.u32 v17, $0x4  }
0x5a: {  	v11 =	vmul.f32 v11, v3;
	v7 =	vadd.s32 v23, v24;
	v23 =	vor.u32 v0, v24  }
0x5b: {  	v17 =	vcvt.s32.f32 v17;
	v7 =	vand.u32 $0xFFFFFF80, v7;
	v19 =	vand.u32 $0x7F, v23  }
0x5c: {  	v23 =	vmul.f32 v20, v1;
	v20 =	vadd.f32 v9, v2;
	v9 =	vadd.f32 v25, v4  }
0x5d: {  	v15 =	vsub.f32 v15, v17;
	v27 =	vor.u32 v19, v7;
	v19 =	vadd.f32 v8, v2  }
0x5e: {  	v8 =	vadd.f32 v10, v4;
	v10 =	vmul.f32 v21, v1;
	v21 =	vadd.f32 v12, v2  }
0x5f: {  	v7 =	vadd.f32 v13, v4;
	v12 =	vtrunc.f32 v5;
	v13 =	vtrunc.f32 v18  }
0x60: {  	v23 =	vadd.f32 v23, v2;
	v34 =	vtrunc.f32 v20;
	v35 =	vtrunc.f32 v9  }
0x61: {  	v12 =	vcvt.f32.s32 v12;
	v13 =	vcvt.f32.s32 v13;
	v24 =	vadd.f32 v10, v2  }
0x62: {  	v10 =	vadd.f32 v11, v4;
	v11 =	vcvt.s32.f32 v16;
	v29 =	vtrunc.f32 v19  }
0x63: {  	v15 =	vmax.f32 v15, $0.0e+00;
	v31 =	vtrunc.f32 v8;
	v32 =	vtrunc.f32 v21  }
0x64: {  	v33 =	vtrunc.f32 v7;
	v15 =	vmin.f32 v15, $1.000000000e+00;
	v37 =	vtrunc.f32 v23  }
0x65: {  	vm1 =	vlt.s32 v12, $0x9;
	vm2 =	vlt.s32 v13, $0xB;
	v16 =	vtrunc.f32 v24  }
0x66: {  	v14 =	vsub.f32 v14, v11;
	v11 =	vadd.f32 v28, v4;
	v17 =	vtrunc.f32 v10  }
0x67: {  	v50 =	vcvt.f32.s32 v37;
	v52 =	vnsel vm1, $0x9, v12;
	v53 =	vnsel vm2, $0xB, v13  }
0x68: {  	v25 =	vld.idx.msk [tilespmem:v27+s21+$0x0], $0xffff;
	v16 =	vcvt.f32.s32 v16;
	v17 =	vcvt.f32.s32 v17;
	v13 =	vshll.u32 v52, $0x4  }
0x69: {  	v30 =	vld.idx.msk [tilespmem:v27+s19+$0x0], $0xffff;
	v14 =	vmax.f32 v14, $0.0e+00;
	v38 =	vtrunc.f32 v11;
	vm0 =	vlt.s32 v50, $0xB  }
0x6a: {  	vm15 =	vlt.s32 v16, $0xB;
	v51 =	vcvt.f32.s32 v38;
	vm11 =	vlt.s32 v17, $0x9  }
0x6b: {  	v14 =	vmin.f32 v14, $1.000000000e+00;
	v16 =	vnsel vm15, $0xB, v16;
	v55 =	vnsel vm11, $0x9, v17  }
0x6c: {  	v28 =	vld.idx.msk [tilespmem:v27+s20+$0x0], $0xffff;
	vm12 =	vlt.s32 v51, $0x9;
	v12 =	vshll.u32 v16, $0x8;
	v61 =	vcvt.s32.f32 v16  }
0x6d: {  	v27 =	vld.idx.msk [tilespmem:v27+s18+$0x0], $0xffff;
	v46 =	vshll.u32 v55, $0x4;
	v38 =	vcvt.s32.f32 v55;
	v25 =	vmul.f32 v14, v25  }
0x6e: {  	v14 =	vmul.f32 v14, v30;
	v30 =	vcvt.f32.s32 v34;
	v34 =	vnsel vm12, $0x9, v51  }
0x6f: {  	v12 =	vadd.s32 v12, v13;
	v13 =	vor.u32 v0, v13;
	v48 =	vshll.u32 v34, $0x4  }
0x70: {  	v12 =	vand.u32 $0xFFFFFF80, v12;
	v13 =	vand.u32 $0x7F, v13;
	v24 =	vsub.f32 v24, v61  }
0x71: {  	v34 =	vcvt.s32.f32 v34;
	v10 =	vsub.f32 v10, v38;
	v25 =	vadd.f32 v25, v28  }
0x72: {  	v14 =	vadd.f32 v14, v27;
	v27 =	vcvt.f32.s32 v31;
	v28 =	vcvt.f32.s32 v32  }
0x73: {  	v31 =	vcvt.f32.s32 v35;
	vm8 =	vlt.s32 v30, $0xB;
	v32 =	vnsel vm10, $0xB, v49  }
0x74: {  	v49 =	vor.u32 v13, v12;
	v30 =	vnsel vm8, $0xB, v30;
	v45 =	vshll.u32 v32, $0x8  }
0x75: {  	v24 =	vmax.f32 v24, $0.0e+00;
	v25 =	vmul.f32 v25, v15;
	v15 =	vcvt.f32.s32 v26  }
0x76: {  	v11 =	vsub.f32 v11, v34;
	v26 =	vcvt.f32.s32 v29;
	v29 =	vcvt.f32.s32 v33  }
0x77: {  	vm5 =	vlt.s32 v27, $0x9;
	vm6 =	vlt.s32 v28, $0xB;
	v33 =	vnsel vm0, $0xB, v50  }
0x78: {  	v43 =	vshll.u32 v30, $0x8;
	v45 =	vadd.s32 v45, v46;
	v46 =	vor.u32 v0, v46  }
0x79: {  	v30 =	vcvt.s32.f32 v30;
	v27 =	vnsel vm5, $0x9, v27;
	v28 =	vnsel vm6, $0xB, v28  }
0x7a: {  	v47 =	vshll.u32 v33, $0x8;
	vm3 =	vlt.s32 v15, $0x9;
	vm4 =	vlt.s32 v26, $0xB  }
0x7b: {  	vm7 =	vlt.s32 v29, $0x9;
	v40 =	vshll.u32 v27, $0x4;
	v41 =	vshll.u32 v28, $0x8  }
0x7c: {  	v47 =	vadd.s32 v47, v48;
	v48 =	vor.u32 v0, v48;
	v16 =	vadd.f32 v25, v14  }
0x7d: {  	v25 =	vcvt.s32.f32 v53;
	v20 =	vsub.f32 v20, v30;
	v30 =	vcvt.s32.f32 v52  }
0x7e: {  	v54 =	vnsel vm3, $0x9, v15;
	v26 =	vnsel vm4, $0xB, v26;
	v29 =	vnsel vm7, $0x9, v29  }
0x7f: {  	v15 =	vshll.u32 v53, $0x8;
	v59 =	vand.u32 $0xFFFFFF80, v47;
	v60 =	vand.u32 $0x7F, v48  }
0x80: {  	v17 =	vshll.u32 v54, $0x4;
	v39 =	vshll.u32 v26, $0x8;
	v42 =	vshll.u32 v29, $0x4  }
0x81: {  	v14 =	vor.u32 v60, v59;
	v18 =	vsub.f32 v18, v25;
	v25 =	vcvt.s32.f32 v32  }
0x82: {  	v52 =	vcvt.s32.f32 v54;
	v15 =	vadd.s32 v15, v17;
	v17 =	vor.u32 v0, v17  }
0x83: {  	v62 =	vld.idx.msk [tilespmem:v49+s21+$0x0], $0xffff;
	v39 =	vadd.s32 v39, v40;
	v40 =	vor.u32 v0, v40;
	v41 =	vadd.s32 v41, v42  }
0x84: {  	v51 =	vld.idx.msk [tilespmem:v49+s19+$0x0], $0xffff;
	v42 =	vor.u32 v0, v42;
	v15 =	vand.u32 $0xFFFFFF80, v15;
	v17 =	vand.u32 $0x7F, v17  }
0x85: {  	s7 =	simm.s32 $0x62C0;
	v53 =	vld.idx.msk [tilespmem:v49+s20+$0x0], $0xffff;
	v39 =	vand.u32 $0xFFFFFF80, v39;
	v12 =	vand.u32 $0x7F, v40;
	v56 =	vand.u32 $0xFFFFFF80, v41  }
0x86: {  	v6 =	vsub.f32 v6, v52;
	v52 =	vld [tilespmem:s7+$0x10];
	v41 =	vor.u32 v17, v15;
	v15 =	vand.u32 $0x7F, v42  }
0x87: {  	v13 =	vor.u32 v12, v39;
	v12 =	vor.u32 v15, v56;
	v15 =	vand.u32 $0x7F, v46;
	v46 =	vld.idx.msk [tilespmem:v49+s18+$0x0], $0xffff  }
0x88: {  	v10 =	vmax.f32 v10, $0.0e+00;
	vm9 =	vlt.s32 v31, $0x9;
	v24 =	vmin.f32 v24, $1.000000000e+00;
	v49 =	vld [tilespmem:s7+$0xFFFFFFE0]  }
0x89: {  	v10 =	vmin.f32 v10, $1.000000000e+00;
	v22 =	vsub.f32 v22, v25;
	v42 =	vmul.f32 v24, v62;
	v25 =	vld.idx.msk [tilespmem:v14+s21+$0x0], $0xffff  }
0x8a: {  	s13 =	simm.s32 $0x42C0;
	v31 =	vnsel vm9, $0x9, v31;
	v58 =	vand.u32 $0xFFFFFF80, v45;
	v33 =	vcvt.s32.f32 v33;
	v62 =	vld.idx.msk [tilespmem:v14+s19+$0x0], $0xffff  }
0x8b: {  	v44 =	vshll.u32 v31, $0x4;
	v28 =	vcvt.s32.f32 v28;
	v60 =	vadd.f32 v42, v53;
	v53 =	vld [tilespmem:s13+$0x20]  }
0x8c: {  	v27 =	vcvt.s32.f32 v27;
	v31 =	vcvt.s32.f32 v31;
	v43 =	vadd.s32 v43, v44;
	v63 =	vld.idx.msk [tilespmem:v41+s21+$0x0], $0xffff  }
0x8d: {  	v44 =	vor.u32 v0, v44;
	v23 =	vsub.f32 v23, v33;
	v47 =	vmax.f32 v11, $0.0e+00;
	v48 =	vld.idx.msk [tilespmem:v13+s21+$0x0], $0xffff  }
0x8e: {  	v57 =	vand.u32 $0x7F, v44;
	v26 =	vcvt.s32.f32 v26;
	v17 =	vand.u32 $0xFFFFFF80, v43;
	v54 =	vld.idx.msk [tilespmem:v41+s19+$0x0], $0xffff  }
0x8f: {  	v21 =	vsub.f32 v21, v28;
	v20 =	vmax.f32 v20, $0.0e+00;
	v17 =	vor.u32 v57, v17;
	v55 =	vld.idx.msk [tilespmem:v41+s20+$0x0], $0xffff  }
0x90: {  	v29 =	vcvt.s32.f32 v29;
	v5 =	vsub.f32 v5, v30;
	v15 =	vor.u32 v15, v58;
	v56 =	vld.idx.msk [tilespmem:v13+s19+$0x0], $0xffff  }
0x91: {  	v8 =	vsub.f32 v8, v27;
	v9 =	vsub.f32 v9, v31;
	v23 =	vmax.f32 v23, $0.0e+00;
	v57 =	vld.idx.msk [tilespmem:v13+s20+$0x0], $0xffff  }
0x92: {  	v20 =	vmin.f32 v20, $1.000000000e+00;
	v19 =	vsub.f32 v19, v26;
	v18 =	vmax.f32 v18, $0.0e+00;
	v41 =	vld.idx.msk [tilespmem:v41+s18+$0x0], $0xffff  }
0x93: {  	v21 =	vmax.f32 v21, $0.0e+00;
	v23 =	vmin.f32 v23, $1.000000000e+00;
	v7 =	vsub.f32 v7, v29;
	v50 =	vld.idx.msk [tilespmem:v12+s21+$0x0], $0xffff  }
0x94: {  	v5 =	vmax.f32 v5, $0.0e+00;
	v8 =	vmax.f32 v8, $0.0e+00;
	v9 =	vmax.f32 v9, $0.0e+00;
	v26 =	vld.idx.msk [tilespmem:v17+s21+$0x0], $0xffff  }
0x95: {  	v18 =	vmin.f32 v18, $1.000000000e+00;
	v21 =	vmin.f32 v21, $1.000000000e+00;
	v5 =	vmin.f32 v5, $1.000000000e+00;
	v28 =	vld.idx.msk [tilespmem:v15+s21+$0x0], $0xffff  }
0x96: {  	v8 =	vmin.f32 v8, $1.000000000e+00;
	v9 =	vmin.f32 v9, $1.000000000e+00;
	v19 =	vmax.f32 v19, $0.0e+00;
	v58 =	vld.idx.msk [tilespmem:v12+s19+$0x0], $0xffff  }
0x97: {  	v22 =	vmax.f32 v22, $0.0e+00;
	v33 =	vmul.f32 v24, v51;
	v6 =	vmax.f32 v6, $0.0e+00;
	v59 =	vld.idx.msk [tilespmem:v12+s20+$0x0], $0xffff  }
0x98: {  	v7 =	vmax.f32 v7, $0.0e+00;
	v19 =	vmin.f32 v19, $1.000000000e+00;
	v22 =	vmin.f32 v22, $1.000000000e+00;
	v29 =	vld.idx.msk [tilespmem:v17+s20+$0x0], $0xffff  }
0x99: {  	v6 =	vmin.f32 v6, $1.000000000e+00;
	v25 =	vmul.f32 v23, v25;
	v31 =	vld.idx.msk [tilespmem:v15+s19+$0x0], $0xffff;
	v30 =	vmul.f32 v18, v63  }
0x9a: {  	v11 =	vmin.f32 v7, $1.000000000e+00;
	v39 =	vmul.f32 v19, v48;
	v27 =	vmul.f32 v22, v28;
	v28 =	vld.idx.msk [tilespmem:v17+s19+$0x0], $0xffff  }
0x9b: {  	v61 =	vld.idx.msk [tilespmem:v15+s20+$0x0], $0xffff;
	v18 =	vmul.f32 v18, v54;
	v32 =	vmul.f32 v21, v50;
	v30 =	vadd.f32 v30, v55  }
0x9c: {  	v19 =	vmul.f32 v19, v56;
	v63 =	vld.idx.msk [tilespmem:v14+s20+$0x0], $0xffff;
	v26 =	vmul.f32 v20, v26;
	v39 =	vadd.f32 v39, v57  }
0x9d: {  	v48 =	vld [tilespmem:s13+$0x30];
	v21 =	vmul.f32 v21, v58;
	v32 =	vadd.f32 v32, v59;
	v30 =	vmul.f32 v30, v6  }
0x9e: {  	v50 =	vld [tilespmem:s7+$0xFFFFFFF0];
	v6 =	vadd.f32 v26, v29;
	v7 =	vmul.f32 v39, v8;
	v8 =	vmul.f32 v22, v31  }
0x9f: {  	v26 =	vld [tilespmem:s7+$0xFFFFFFC0];
	v22 =	vadd.f32 v33, v46;
	v33 =	vmul.f32 v52, v3;
	v24 =	vmul.f32 v20, v28  }
0xa0: {  	v20 =	vmul.f32 v60, v5;
	v28 =	vld [tilespmem:s7+$0x30];
	v5 =	vmul.f32 v32, v11;
	v11 =	vadd.f32 v27, v61  }
0xa1: {  	v18 =	vadd.f32 v18, v41;
	v6 =	vmul.f32 v6, v9;
	v9 =	vmul.f32 v23, v62;
	v27 =	vld [tilespmem:s13+$0xFFFFFFD0]  }
0xa2: {  	v29 =	vld [tilespmem:s7+$0xFFFFFFD0];
	v23 =	vmin.f32 v47, $1.000000000e+00;
	v60 =	vmul.f32 v53, v1;
	v11 =	vmul.f32 v11, v10  }
0xa3: {  	v10 =	vadd.f32 v25, v63;
	v25 =	vmul.f32 v48, v1;
	v22 =	vadd.f32 v20, v22;
	v20 =	vld [tilespmem:s13+$0xFFFFFFF0]  }
0xa4: {  	v31 =	vld [tilespmem:s13+$0xFFFFFFE0];
	v54 =	vmul.f32 v50, v3;
	v26 =	vmul.f32 v26, v3;
	v37 =	vadd.f32 v60, v2  }
0xa5: {  	v10 =	vmul.f32 v10, v23;
	v40 =	vadd.f32 v25, v2;
	v28 =	vmul.f32 v28, v3  }
0xa6: {  	v23 =	vadd.f32 v30, v18;
	v25 =	vadd.f32 v26, v4;
	v18 =	vmul.f32 v27, v1  }
0xa7: {  	v27 =	vmul.f32 v29, v3;
	v29 =	vld [tilespmem:s7+$0x0];
	v26 =	vtrunc.f32 v40;
	v41 =	vadd.f32 v28, v4  }
0xa8: {  	v28 =	vld [tilespmem:s13+$0x0];
	v32 =	vadd.f32 v18, v2;
	v51 =	vcvt.f32.s32 v26;
	v20 =	vmul.f32 v20, v1  }
0xa9: {  	v18 =	vld [tilespmem:s13+$0x10];
	v26 =	vadd.f32 v27, v4;
	v27 =	vmul.f32 v31, v1;
	v31 =	vmul.f32 v49, v3  }
0xaa: {  	v30 =	vtrunc.f32 v41;
	v35 =	vadd.f32 v20, v2;
	v20 =	vtrunc.f32 v25  }
0xab: {  	vm10 =	vlt.s32 v51, $0xB;
	v46 =	vtrunc.f32 v32;
	v30 =	vcvt.f32.s32 v30  }
0xac: {  	v44 =	vtrunc.f32 v26;
	v56 =	vnsel vm10, $0xB, v51;
	v29 =	vmul.f32 v29, v3  }
0xad: {  	v20 =	vcvt.f32.s32 v20;
	v51 =	vtrunc.f32 v35;
	vm11 =	vlt.s32 v30, $0x9  }
0xae: {  	v13 =	vld.idx.msk [tilespmem:v13+s18+$0x0], $0xffff;
	v58 =	vmul.f32 v28, v1;
	v28 =	vshll.u32 v56, $0x8;
	v18 =	vmul.f32 v18, v1  }
0xaf: {  	v55 =	vld [tilespmem:s7+$0x20];
	v29 =	vadd.f32 v29, v4;
	vm13 =	vlt.s32 v20, $0x9;
	v57 =	vnsel vm11, $0x9, v30  }
0xb0: {  	v30 =	vld [tilespmem:s13+$0xFFFFFFC0];
	v59 =	vshll.u32 v57, $0x4;
	v36 =	vadd.f32 v58, v2;
	v38 =	vadd.f32 v18, v2  }
0xb1: {  	v18 =	vld.idx.msk [tilespmem:v12+s18+$0x0], $0xffff;
	v12 =	vcvt.s32.f32 v56;
	v28 =	vadd.s32 v28, v59;
	v34 =	vor.u32 v0, v59  }
0xb2: {  	v59 =	vcvt.s32.f32 v57;
	v28 =	vand.u32 $0xFFFFFF80, v28;
	v34 =	vand.u32 $0x7F, v34  }
0xb3: {  	v40 =	vsub.f32 v40, v12;
	v12 =	vadd.f32 v19, v13;
	v19 =	vtrunc.f32 v36  }
0xb4: {  	v53 =	vtrunc.f32 v38;
	v61 =	vor.u32 v34, v28;
	v34 =	vadd.f32 v27, v2  }
0xb5: {  	v28 =	vadd.f32 v31, v4;
	v31 =	vmul.f32 v55, v3;
	v27 =	vadd.f32 v54, v4  }
0xb6: {  	v19 =	vcvt.f32.s32 v19;
	v30 =	vmul.f32 v30, v1;
	v13 =	vmax.f32 v40, $0.0e+00  }
0xb7: {  	v40 =	vsub.f32 v41, v59;
	v59 =	vcvt.f32.s32 v51;
	v51 =	vnsel vm13, $0x9, v20  }
0xb8: {  	v31 =	vadd.f32 v31, v4;
	v48 =	vtrunc.f32 v34;
	v49 =	vtrunc.f32 v28  }
0xb9: {  	v52 =	vtrunc.f32 v27;
	v54 =	vmin.f32 v13, $1.000000000e+00;
	v13 =	vadd.f32 v21, v18  }
0xba: {  	vm8 =	vlt.s32 v19, $0xB;
	v39 =	vadd.f32 v30, v2;
	v30 =	vadd.f32 v33, v4;
	v62 =	vld.idx.msk [tilespmem:v61+s21+$0x0], $0xffff  }
0xbb: {  	v18 =	vmax.f32 v40, $0.0e+00;
	v57 =	vcvt.f32.s32 v48;
	v58 =	vcvt.f32.s32 v49;
	v63 =	vld.idx.msk [tilespmem:v61+s19+$0x0], $0xffff  }
0xbc: {  	vm6 =	vlt.s32 v59, $0xB;
	v56 =	vtrunc.f32 v31;
	v18 =	vmin.f32 v18, $1.000000000e+00;
	v50 =	vld.idx.msk [tilespmem:v61+s20+$0x0], $0xffff  }
0xbd: {  	v47 =	vnsel vm6, $0xB, v59;
	v42 =	vtrunc.f32 v39;
	v60 =	vld.idx.msk [tilespmem:v61+s18+$0x0], $0xffff;
	v61 =	vtrunc.f32 v29  }
0xbe: {  	v55 =	vtrunc.f32 v30;
	vm4 =	vlt.s32 v57, $0xB;
	v40 =	vcvt.f32.s32 v42  }
0xbf: {  	vm5 =	vlt.s32 v58, $0x9;
	v33 =	vmul.f32 v54, v62;
	v62 =	vtrunc.f32 v37  }
0xc0: {  	vm12 =	vlt.s32 v40, $0xB;
	v21 =	vmul.f32 v54, v63;
	v63 =	vcvt.f32.s32 v46  }
0xc1: {  	v54 =	vcvt.f32.s32 v44;
	v44 =	vnsel vm4, $0xB, v57;
	v46 =	vnsel vm5, $0x9, v58  }
0xc2: {  	v57 =	vshll.u32 v47, $0x8;
	v47 =	vcvt.s32.f32 v47;
	v41 =	vcvt.f32.s32 v62  }
0xc3: {  	v62 =	vcvt.f32.s32 v56;
	v56 =	vshll.u32 v46, $0x4;
	v46 =	vcvt.s32.f32 v46  }
0xc4: {  	v33 =	vadd.f32 v33, v50;
	v21 =	vadd.f32 v21, v60;
	vm14 =	vlt.s32 v63, $0xB  }
0xc5: {  	v60 =	vcvt.f32.s32 v53;
	vm15 =	vlt.s32 v54, $0x9;
	v50 =	vnsel vm12, $0xB, v40  }
0xc6: {  	v53 =	vnsel vm8, $0xB, v19;
	v19 =	vshll.u32 v51, $0x4;
	v40 =	vshll.u32 v44, $0x8  }
0xc7: {  	v44 =	vcvt.s32.f32 v44;
	v35 =	vsub.f32 v35, v47;
	v42 =	vnsel vm14, $0xB, v63  }
0xc8: {  	vm14 =	vlt.s32 v41, $0xB;
	v43 =	vnsel vm15, $0x9, v54;
	vm15 =	vlt.s32 v62, $0x9  }
0xc9: {  	v59 =	vshll.u32 v53, $0x8;
	v28 =	vsub.f32 v28, v46;
	v18 =	vmul.f32 v33, v18  }
0xca: {  	vm12 =	vlt.s32 v60, $0xB;
	v49 =	vnsel vm15, $0x9, v62;
	v20 =	vshll.u32 v42, $0x8  }
0xcb: {  	v42 =	vcvt.s32.f32 v42;
	v34 =	vsub.f32 v34, v44;
	v35 =	vmax.f32 v35, $0.0e+00  }
0xcc: {  	v45 =	vnsel vm12, $0xB, v60;
	v33 =	vadd.f32 v18, v21;
	v18 =	vcvt.f32.s32 v52  }
0xcd: {  	v28 =	vmax.f32 v28, $0.0e+00;
	v21 =	vcvt.f32.s32 v61;
	v61 =	vcvt.f32.s32 v55  }
0xce: {  	v55 =	vnsel vm14, $0xB, v41;
	v32 =	vsub.f32 v32, v42;
	v34 =	vmax.f32 v34, $0.0e+00  }
0xcf: {  	vm7 =	vlt.s32 v18, $0x9;
	vm9 =	vlt.s32 v21, $0x9;
	vm13 =	vlt.s32 v61, $0x9  }
0xd0: {  	v32 =	vmax.f32 v32, $0.0e+00;
	v52 =	vnsel vm7, $0x9, v18;
	v54 =	vnsel vm9, $0x9, v21  }
0xd1: {  	v48 =	vnsel vm13, $0x9, v61;
	v18 =	vshll.u32 v50, $0x8;
	v21 =	vshll.u32 v43, $0x4  }
0xd2: {  	v50 =	vcvt.s32.f32 v50;
	v43 =	vcvt.s32.f32 v43;
	v58 =	vshll.u32 v52, $0x4  }
0xd3: {  	v18 =	vadd.s32 v18, v19;
	v19 =	vor.u32 v0, v19;
	v60 =	vshll.u32 v54, $0x4  }
0xd4: {  	v20 =	vadd.s32 v20, v21;
	v21 =	vor.u32 v0, v21;
	v61 =	vshll.u32 v48, $0x4  }
0xd5: {  	v18 =	vand.u32 $0xFFFFFF80, v18;
	v19 =	vand.u32 $0x7F, v19;
	v63 =	vor.u32 v0, v58  }
0xd6: {  	v62 =	vadd.s32 v59, v60;
	v41 =	vor.u32 v19, v18;
	v19 =	vshll.u32 v45, $0x8  }
0xd7: {  	v18 =	vand.u32 $0xFFFFFF80, v20;
	v20 =	vand.u32 $0x7F, v21;
	v21 =	vadd.s32 v40, v56  }
0xd8: {  	v56 =	vor.u32 v0, v56;
	v40 =	vor.u32 v20, v18;
	v18 =	vand.u32 $0xFFFFFF80, v21  }
0xd9: {  	v20 =	vand.u32 $0x7F, v56;
	v21 =	vadd.s32 v57, v58;
	v57 =	vshll.u32 v55, $0x8  }
0xda: {  	v58 =	vld.idx.msk [tilespmem:v17+s18+$0x0], $0xffff;
	v17 =	vor.u32 v0, v60;
	v19 =	vadd.s32 v19, v61;
	v56 =	vand.u32 $0xFFFFFF80, v62  }
0xdb: {  	v20 =	vor.u32 v20, v18;
	v18 =	vand.u32 $0xFFFFFF80, v21;
	v21 =	vand.u32 $0x7F, v63  }
0xdc: {  	v15 =	vld.idx.msk [tilespmem:v15+s18+$0x0], $0xffff;
	v63 =	vor.u32 v0, v61;
	v18 =	vor.u32 v21, v18;
	v21 =	vshll.u32 v49, $0x4  }
0xdd: {  	v14 =	vld.idx.msk [tilespmem:v14+s18+$0x0], $0xffff;
	v17 =	vand.u32 $0x7F, v17;
	v57 =	vadd.s32 v57, v21;
	v21 =	vor.u32 v0, v21  }
0xde: {  	v57 =	vand.u32 $0xFFFFFF80, v57;
	v60 =	vand.u32 $0x7F, v21;
	v21 =	vor.u32 v17, v56;
	v56 =	vld.idx.msk [tilespmem:v41+s19+$0x0], $0xffff  }
0xdf: {  	v61 =	vcvt.s32.f32 v45;
	v17 =	vor.u32 v60, v57;
	v60 =	vcvt.s32.f32 v53;
	v53 =	vld.idx.msk [tilespmem:v41+s21+$0x0], $0xffff  }
0xe0: {  	v32 =	vmin.f32 v32, $1.000000000e+00;
	v39 =	vsub.f32 v39, v50;
	v62 =	vcvt.s32.f32 v55;
	v55 =	vld.idx.msk [tilespmem:v40+s21+$0x0], $0xffff  }
0xe1: {  	v48 =	vcvt.s32.f32 v48;
	v26 =	vsub.f32 v26, v43;
	v38 =	vsub.f32 v38, v61;
	v57 =	vld.idx.msk [tilespmem:v41+s20+$0x0], $0xffff  }
0xe2: {  	v19 =	vand.u32 $0xFFFFFF80, v19;
	v45 =	vcvt.s32.f32 v51;
	v59 =	vand.u32 $0x7F, v63;
	v61 =	vld.idx.msk [tilespmem:v40+s19+$0x0], $0xffff  }
0xe3: {  	v39 =	vmax.f32 v39, $0.0e+00;
	v19 =	vor.u32 v59, v19;
	v38 =	vmax.f32 v38, $0.0e+00;
	v44 =	vld.idx.msk [tilespmem:v20+s21+$0x0], $0xffff  }
0xe4: {  	v59 =	vmin.f32 v35, $1.000000000e+00;
	v35 =	vmin.f32 v38, $1.000000000e+00;
	v38 =	vsub.f32 v25, v45;
	v45 =	vld.idx.msk [tilespmem:v40+s20+$0x0], $0xffff  }
0xe5: {  	v51 =	vcvt.s32.f32 v52;
	v52 =	vcvt.s32.f32 v54;
	v37 =	vsub.f32 v37, v62;
	v43 =	vld.idx.msk [tilespmem:v20+s19+$0x0], $0xffff  }
0xe6: {  	v30 =	vsub.f32 v30, v48;
	v39 =	vmin.f32 v39, $1.000000000e+00;
	v49 =	vcvt.s32.f32 v49;
	v46 =	vld.idx.msk [tilespmem:v20+s20+$0x0], $0xffff  }
0xe7: {  	v27 =	vsub.f32 v27, v51;
	v29 =	vsub.f32 v29, v52;
	v37 =	vmax.f32 v37, $0.0e+00;
	v42 =	vld.idx.msk [tilespmem:v18+s21+$0x0], $0xffff  }
0xe8: {  	v63 =	vsub.f32 v31, v49;
	v49 =	vmax.f32 v26, $0.0e+00;
	v24 =	vadd.f32 v24, v58;
	v50 =	vld.idx.msk [tilespmem:v19+s21+$0x0], $0xffff  }
0xe9: {  	v58 =	vmin.f32 v34, $1.000000000e+00;
	v34 =	vmin.f32 v37, $1.000000000e+00;
	v36 =	vsub.f32 v36, v60;
	v47 =	vld.idx.msk [tilespmem:v21+s21+$0x0], $0xffff  }
0xea: {  	s8 =	simm.s32 $0x8240;
	v29 =	vmax.f32 v29, $0.0e+00;
	v49 =	vmin.f32 v49, $1.000000000e+00;
	v63 =	vmax.f32 v63, $0.0e+00;
	v51 =	vld.idx.msk [tilespmem:v21+s19+$0x0], $0xffff  }
0xeb: {  	[tilespmem:s8+$0xFFFFFFC0] =	vst v22;
	v22 =	vmin.f32 v63, $1.000000000e+00;
	v38 =	vmax.f32 v38, $0.0e+00;
	v36 =	vmax.f32 v36, $0.0e+00;
	v54 =	vld.idx.msk [tilespmem:v17+s21+$0x0], $0xffff  }
0xec: {  	v60 =	vmin.f32 v36, $1.000000000e+00;
	v53 =	vmul.f32 v39, v53;
	v36 =	vmul.f32 v39, v56;
	v39 =	vld.idx.msk [tilespmem:v18+s19+$0x0], $0xffff  }
0xed: {  	v55 =	vmul.f32 v32, v55;
	v26 =	vmul.f32 v32, v61;
	v61 =	vmin.f32 v38, $1.000000000e+00;
	v38 =	vld.idx.msk [tilespmem:v17+s20+$0x0], $0xffff  }
0xee: {  	v44 =	vmul.f32 v58, v44;
	v31 =	vmul.f32 v58, v43;
	v48 =	vadd.f32 v53, v57;
	v53 =	vld.idx.msk [tilespmem:v21+s20+$0x0], $0xffff  }
0xef: {  	v42 =	vmul.f32 v59, v42;
	v52 =	vadd.f32 v55, v45;
	v37 =	vmul.f32 v35, v50;
	v50 =	vld.idx.msk [tilespmem:v18+s20+$0x0], $0xffff  }
0xf0: {  	v45 =	vmax.f32 v27, $0.0e+00;
	v25 =	vmul.f32 v34, v54;
	v54 =	vmax.f32 v30, $0.0e+00;
	v30 =	vld.idx.msk [tilespmem:v19+s19+$0x0], $0xffff  }
0xf1: {  	[tilespmem:s8+$0x30] =	vst v16;
	v46 =	vadd.f32 v44, v46;
	v44 =	vld.idx.msk [tilespmem:v19+s20+$0x0], $0xffff;
	v43 =	vmin.f32 v45, $1.000000000e+00;
	v62 =	vmul.f32 v60, v47  }
0xf2: {  	[tilespmem:s8+$0xFFFFFFD0] =	vst v23;
	v27 =	vld.idx.msk [tilespmem:v17+s19+$0x0], $0xffff;
	v47 =	vmin.f32 v28, $1.000000000e+00;
	v16 =	vmul.f32 v60, v51;
	v23 =	vmul.f32 v52, v49  }
0xf3: {  	s9 =	simm.s32 $0x82C0;
	s11 =	sshll.u32 s6, $0xD;
	v32 =	vmul.f32 v59, v39;
	v39 =	vld.idx.msk [tilespmem:v40+s18+$0x0], $0xffff;
	v28 =	vmin.f32 v54, $1.000000000e+00;
	v40 =	vadd.f32 v62, v53  }
0xf4: {  	s11 =	sor.u32 s10, s11;
	s12 =	simm.s32 $0x80;
	s13 =	simm.s32 $0x4340;
	[tilespmem:s9+$0x30] =	vst v33;
	v33 =	vld.idx.msk [tilespmem:v41+s18+$0x0], $0xffff;
	v45 =	vadd.f32 v42, v50;
	v42 =	vmin.f32 v29, $1.000000000e+00;
	v29 =	vmul.f32 v48, v61  }
.LBB2_3:
0xf5: {  	v41 =	vld [tilespmem:s13+$0x30];
	v46 =	vmul.f32 v46, v47;
	s7 =	sadd.s32 $0x80, s7;
	v15 =	vadd.f32 v8, v15;
	v8 =	vmul.f32 v35, v30  }
0xf6: {  	s12 =	sadd.s32 $0x80, s12;
	v35 =	vmul.f32 v45, v43;
	v37 =	vadd.f32 v37, v44;
	v30 =	vld [tilespmem:s7+$0x30];
	v40 =	vmul.f32 v40, v42  }
0xf7: {  	v12 =	vadd.f32 v7, v12;
	v14 =	vadd.f32 v9, v14;
	p1 =	slt.u32 s12, $0xF80;
	v9 =	vmul.f32 v34, v27;
	v42 =	vld [tilespmem:s7+$0xFFFFFFC0];
	v7 =	vmovc v46  }
0xf8: {  	v13 =	vadd.f32 v5, v13;
	v28 =	vmul.f32 v37, v28;
	v25 =	vadd.f32 v25, v38;
	v5 =	vmovc v35;
	v27 =	vld [tilespmem:s13+$0xFFFFFFD0]  }
0xf9: {  	v33 =	vadd.f32 v36, v33;
	v34 =	vld [tilespmem:s7+$0xFFFFFFD0];
	[tilespmem:s8+$0xFFFFFFE0] =	vst v12;
	v12 =	vadd.f32 v6, v24;
	v6 =	vmov v40  }
0xfa: {  	v11 =	vadd.f32 v11, v15;
	v26 =	vadd.f32 v26, v39;
	v25 =	vmul.f32 v25, v22;
	v24 =	vld [tilespmem:s13+$0xFFFFFFE0];
	[tilespmem:s8+$0xFFFFFFF0] =	vst v13  }
0xfb: {  	v15 =	vmul.f32 v41, v1;
	v29 =	vadd.f32 v29, v33;
	v13 =	vld [tilespmem:s7+$0xFFFFFFE0];
	v22 =	vmul.f32 v30, v3;
	[tilespmem:s8+$0x0] =	vst v12  }
0xfc: {  	v14 =	vadd.f32 v10, v14;
	v23 =	vadd.f32 v23, v26;
	v12 =	vmul.f32 v42, v3;
	v33 =	vld [tilespmem:s13+$0xFFFFFFF0];
	[tilespmem:s8+$0x10] =	vst v11  }
0xfd: {  	v39 =	vadd.f32 v15, v2;
	v26 =	vmul.f32 v27, v1;
	v27 =	vld [tilespmem:s7+$0xFFFFFFF0];
	v40 =	vadd.f32 v22, v4;
	[tilespmem:s9+$0xFFFFFFC0] =	vst v29  }
0xfe: {  	v10 =	vmovc v25;
	v11 =	vmov v28;
	v22 =	vadd.f32 v12, v4;
	v12 =	vmul.f32 v34, v3;
	v15 =	vld [tilespmem:s13+$0x0];
	[tilespmem:s9+$0xFFFFFFD0] =	vst v23  }
0xff: {  	v30 =	vadd.f32 v26, v2;
	v25 =	vld [tilespmem:s7+$0x0];
	v26 =	vtrunc.f32 v39;
	v28 =	vtrunc.f32 v40;
	[tilespmem:s8+$0x20] =	vst v14;
	s8 =	smov.u32 s9  }
0x100: {  	v23 =	vadd.f32 v12, v4;
	v12 =	vld [tilespmem:s13+$0x10];
	v14 =	vcvt.f32.s32 v26;
	v26 =	vcvt.f32.s32 v28  }
0x101: {  	v28 =	vmul.f32 v24, v1;
	v13 =	vmul.f32 v13, v3;
	v24 =	vld [tilespmem:s7+$0x10]  }
0x102: {  	v29 =	vmul.f32 v33, v1;
	v33 =	vld [tilespmem:s13+$0x20];
	vm0 =	vlt.s32 v14, $0xB;
	vm1 =	vlt.s32 v26, $0x9  }
0x103: {  	v27 =	vmul.f32 v27, v3;
	v34 =	vld [tilespmem:s7+$0x20];
	v41 =	vnsel vm0, $0xB, v14;
	v42 =	vnsel vm1, $0x9, v26  }
0x104: {  	v35 =	vmul.f32 v15, v1;
	v14 =	vld [tilespmem:s13+$0xFFFFFFC0];
	v15 =	vshll.u32 v41, $0x8;
	v26 =	vshll.u32 v42, $0x4  }
0x105: {  	v36 =	vmul.f32 v25, v3;
	v15 =	vadd.s32 v15, v26;
	v25 =	vor.u32 v0, v26;
	v20 =	vld.idx.msk [tilespmem:v20+s18+$0x0], $0xffff  }
0x106: {  	v12 =	vmul.f32 v12, v1;
	v15 =	vand.u32 $0xFFFFFF80, v15;
	v25 =	vand.u32 $0x7F, v25;
	v18 =	vld.idx.msk [tilespmem:v18+s18+$0x0], $0xffff  }
0x107: {  	v43 =	vmul.f32 v24, v3;
	v44 =	vmul.f32 v33, v1;
	v45 =	vor.u32 v25, v15;
	v24 =	vld.idx.msk [tilespmem:v21+s18+$0x0], $0xffff  }
0x108: {  	v33 =	vadd.f32 v28, v2;
	v25 =	vadd.f32 v13, v4;
	v13 =	vmul.f32 v34, v3;
	v15 =	vld.idx.msk [tilespmem:v19+s18+$0x0], $0xffff  }
0x109: {  	v26 =	vadd.f32 v27, v4;
	v34 =	vadd.f32 v29, v2;
	v19 =	vmul.f32 v14, v1;
	v14 =	vld.idx.msk [tilespmem:v17+s18+$0x0], $0xffff  }
0x10a: {  	v35 =	vadd.f32 v35, v2;
	v27 =	vadd.f32 v36, v4;
	v17 =	vtrunc.f32 v22  }
0x10b: {  	v37 =	vadd.f32 v12, v2;
	v38 =	vadd.f32 v19, v2;
	v19 =	vtrunc.f32 v30  }
0x10c: {  	v12 =	vcvt.s32.f32 v41;
	v28 =	vadd.f32 v43, v4;
	v36 =	vadd.f32 v44, v2;
	v21 =	vld.idx.msk [tilespmem:v45+s21+$0x0], $0xffff  }
0x10d: {  	v43 =	vtrunc.f32 v23;
	v29 =	vadd.f32 v13, v4;
	v41 =	vtrunc.f32 v38;
	v44 =	vld.idx.msk [tilespmem:v45+s19+$0x0], $0xffff  }
0x10e: {  	v46 =	vtrunc.f32 v33;
	v47 =	vtrunc.f32 v25;
	v13 =	vsub.f32 v39, v12;
	v39 =	vld.idx.msk [tilespmem:v45+s20+$0x0], $0xffff  }
0x10f: {  	v49 =	vtrunc.f32 v26;
	v48 =	vtrunc.f32 v34;
	v12 =	vadd.f32 v31, v20  }
0x110: {  	v20 =	vtrunc.f32 v35;
	v31 =	vcvt.s32.f32 v42;
	v13 =	vmax.f32 v13, $0.0e+00;
	v42 =	vld.idx.msk [tilespmem:v45+s18+$0x0], $0xffff  }
0x111: {  	v50 =	vtrunc.f32 v37;
	v51 =	vmin.f32 v13, $1.000000000e+00;
	v45 =	vtrunc.f32 v27  }
0x112: {  	v52 =	vtrunc.f32 v28;
	v31 =	vsub.f32 v40, v31;
	v21 =	vmul.f32 v51, v21  }
0x113: {  	v40 =	vtrunc.f32 v36;
	v53 =	vtrunc.f32 v29;
	v13 =	vadd.f32 v32, v18  }
0x114: {  	v18 =	vmax.f32 v31, $0.0e+00;
	v31 =	vmul.f32 v51, v44;
	v21 =	vadd.f32 v21, v39  }
0x115: {  	v17 =	vcvt.f32.s32 v17;
	v32 =	vcvt.f32.s32 v41;
	v18 =	vmin.f32 v18, $1.000000000e+00  }
0x116: {  	v19 =	vcvt.f32.s32 v19;
	v31 =	vadd.f32 v31, v42;
	v18 =	vmul.f32 v21, v18  }
0x117: {  	vm0 =	vlt.s32 v32, $0xB;
	v39 =	vcvt.f32.s32 v46;
	v21 =	vcvt.f32.s32 v43  }
0x118: {  	v41 =	vcvt.f32.s32 v47;
	v42 =	vcvt.f32.s32 v48;
	v18 =	vadd.f32 v18, v31  }
0x119: {  	s9 =	sadd.s32 $0x80, s9;
	v20 =	vcvt.f32.s32 v20;
	vm1 =	vlt.s32 v17, $0x9;
	v31 =	vcvt.f32.s32 v49  }
0x11a: {  	vm2 =	vlt.s32 v19, $0xB;
	v44 =	vcvt.f32.s32 v50;
	v43 =	vcvt.f32.s32 v45;
	[tilespmem:s9+$0x30] =	vst v18  }
0x11b: {  	v40 =	vcvt.f32.s32 v40;
	vm3 =	vlt.s32 v21, $0x9;
	v18 =	vcvt.f32.s32 v52  }
0x11c: {  	vm5 =	vlt.s32 v41, $0x9;
	vm4 =	vlt.s32 v39, $0xB;
	v45 =	vcvt.f32.s32 v53  }
0x11d: {  	vm8 =	vlt.s32 v20, $0xB;
	vm6 =	vlt.s32 v42, $0xB;
	vm7 =	vlt.s32 v31, $0x9  }
0x11e: {  	vm10 =	vlt.s32 v44, $0xB;
	vm9 =	vlt.s32 v43, $0x9;
	vm11 =	vlt.s32 v18, $0x9  }
0x11f: {  	v32 =	vnsel vm0, $0xB, v32;
	vm0 =	vlt.s32 v40, $0xB;
	vm12 =	vlt.s32 v45, $0x9  }
0x120: {  	v47 =	vnsel vm2, $0xB, v19;
	v46 =	vnsel vm1, $0x9, v17;
	v48 =	vnsel vm3, $0x9, v21  }
0x121: {  	v41 =	vnsel vm5, $0x9, v41;
	v49 =	vnsel vm4, $0xB, v39;
	v42 =	vnsel vm6, $0xB, v42  }
0x122: {  	v50 =	vnsel vm8, $0xB, v20;
	v43 =	vnsel vm9, $0x9, v43;
	v31 =	vnsel vm7, $0x9, v31  }
0x123: {  	v40 =	vnsel vm0, $0xB, v40;
	v44 =	vnsel vm10, $0xB, v44;
	v51 =	vnsel vm11, $0x9, v18  }
0x124: {  	v17 =	vshll.u32 v32, $0x8;
	v45 =	vnsel vm12, $0x9, v45;
	v18 =	vshll.u32 v46, $0x4  }
0x125: {  	v19 =	vshll.u32 v47, $0x8;
	v21 =	vshll.u32 v49, $0x8;
	v20 =	vshll.u32 v48, $0x4  }
0x126: {  	v39 =	vshll.u32 v41, $0x4;
	v52 =	vshll.u32 v42, $0x8;
	v53 =	vshll.u32 v31, $0x4  }
0x127: {  	v54 =	vshll.u32 v50, $0x8;
	v56 =	vshll.u32 v44, $0x8;
	v55 =	vshll.u32 v43, $0x4  }
0x128: {  	v58 =	vshll.u32 v40, $0x8;
	v59 =	vshll.u32 v45, $0x4;
	v57 =	vshll.u32 v51, $0x4  }
0x129: {  	v19 =	vadd.s32 v19, v20;
	v17 =	vadd.s32 v17, v18;
	v18 =	vor.u32 v0, v18  }
0x12a: {  	v21 =	vadd.s32 v21, v39;
	v39 =	vor.u32 v0, v39;
	v20 =	vor.u32 v0, v20  }
0x12b: {  	v54 =	vadd.s32 v54, v55;
	v52 =	vadd.s32 v52, v53;
	v53 =	vor.u32 v0, v53  }
0x12c: {  	v55 =	vor.u32 v0, v55;
	v56 =	vadd.s32 v56, v57;
	v57 =	vor.u32 v0, v57  }
0x12d: {  	v58 =	vadd.s32 v58, v59;
	v59 =	vor.u32 v0, v59;
	v17 =	vand.u32 $0xFFFFFF80, v17  }
0x12e: {  	v19 =	vand.u32 $0xFFFFFF80, v19;
	v20 =	vand.u32 $0x7F, v20;
	v18 =	vand.u32 $0x7F, v18  }
0x12f: {  	v21 =	vand.u32 $0xFFFFFF80, v21;
	v60 =	vand.u32 $0x7F, v39;
	v52 =	vand.u32 $0xFFFFFF80, v52  }
0x130: {  	v54 =	vand.u32 $0xFFFFFF80, v54;
	v55 =	vand.u32 $0x7F, v55;
	v53 =	vand.u32 $0x7F, v53  }
0x131: {  	v58 =	vand.u32 $0xFFFFFF80, v58;
	v56 =	vand.u32 $0xFFFFFF80, v56;
	v57 =	vand.u32 $0x7F, v57  }
0x132: {  	v39 =	vor.u32 v20, v19;
	v61 =	vor.u32 v18, v17;
	v17 =	vand.u32 $0x7F, v59  }
0x133: {  	v20 =	vor.u32 v60, v21;
	v21 =	vor.u32 v55, v54;
	v18 =	vor.u32 v53, v52  }
0x134: {  	v32 =	vcvt.s32.f32 v32;
	v19 =	vor.u32 v57, v56;
	v17 =	vor.u32 v17, v58  }
0x135: {  	v24 =	vadd.f32 v16, v24;
	v47 =	vcvt.s32.f32 v47;
	v49 =	vcvt.s32.f32 v49  }
0x136: {  	v16 =	vsub.f32 v38, v32;
	v38 =	vcvt.s32.f32 v50;
	v32 =	vcvt.s32.f32 v42  }
0x137: {  	v30 =	vsub.f32 v30, v47;
	v40 =	vcvt.s32.f32 v40;
	v44 =	vcvt.s32.f32 v44;
	v42 =	vld.idx.msk [tilespmem:v61+s21+$0x0], $0xffff  }
0x138: {  	v16 =	vmax.f32 v16, $0.0e+00;
	v33 =	vsub.f32 v33, v49;
	v32 =	vsub.f32 v34, v32;
	v47 =	vld.idx.msk [tilespmem:v39+s21+$0x0], $0xffff  }
0x139: {  	v30 =	vmax.f32 v30, $0.0e+00;
	v34 =	vsub.f32 v35, v38;
	v35 =	vsub.f32 v37, v44;
	v49 =	vld.idx.msk [tilespmem:v20+s21+$0x0], $0xffff  }
0x13a: {  	v36 =	vsub.f32 v36, v40;
	v33 =	vmax.f32 v33, $0.0e+00;
	v32 =	vmax.f32 v32, $0.0e+00;
	v37 =	vld.idx.msk [tilespmem:v18+s21+$0x0], $0xffff  }
0x13b: {  	v38 =	vcvt.s32.f32 v46;
	v34 =	vmax.f32 v34, $0.0e+00;
	v35 =	vmax.f32 v35, $0.0e+00;
	v40 =	vld.idx.msk [tilespmem:v21+s21+$0x0], $0xffff  }
0x13c: {  	v41 =	vcvt.s32.f32 v41;
	v36 =	vmax.f32 v36, $0.0e+00;
	v44 =	vcvt.s32.f32 v48;
	v46 =	vld.idx.msk [tilespmem:v19+s21+$0x0], $0xffff  }
0x13d: {  	v16 =	vmin.f32 v16, $1.000000000e+00;
	v43 =	vcvt.s32.f32 v43;
	v31 =	vcvt.s32.f32 v31;
	v48 =	vld.idx.msk [tilespmem:v17+s21+$0x0], $0xffff  }
0x13e: {  	v30 =	vmin.f32 v30, $1.000000000e+00;
	v45 =	vcvt.s32.f32 v45;
	v51 =	vcvt.s32.f32 v51;
	v50 =	vld.idx.msk [tilespmem:v61+s19+$0x0], $0xffff  }
0x13f: {  	v33 =	vmin.f32 v33, $1.000000000e+00;
	v32 =	vmin.f32 v32, $1.000000000e+00;
	v53 =	vmin.f32 v34, $1.000000000e+00;
	v52 =	vld.idx.msk [tilespmem:v61+s20+$0x0], $0xffff  }
0x140: {  	v35 =	vmin.f32 v35, $1.000000000e+00;
	v34 =	vmin.f32 v36, $1.000000000e+00;
	v42 =	vmul.f32 v16, v42;
	v54 =	vld.idx.msk [tilespmem:v39+s19+$0x0], $0xffff  }
0x141: {  	v22 =	vsub.f32 v22, v38;
	v47 =	vmul.f32 v30, v47;
	v49 =	vmul.f32 v33, v49;
	v38 =	vld.idx.msk [tilespmem:v39+s20+$0x0], $0xffff  }
0x142: {  	v23 =	vsub.f32 v23, v44;
	v55 =	vmul.f32 v32, v37;
	v40 =	vmul.f32 v53, v40;
	v44 =	vld.idx.msk [tilespmem:v20+s19+$0x0], $0xffff  }
0x143: {  	v41 =	vsub.f32 v25, v41;
	v37 =	vmul.f32 v35, v46;
	v25 =	vmul.f32 v34, v48;
	v56 =	vld.idx.msk [tilespmem:v20+s20+$0x0], $0xffff  }
0x144: {  	v27 =	vsub.f32 v27, v43;
	v36 =	vmul.f32 v16, v50;
	v16 =	vsub.f32 v26, v31;
	v48 =	vld.idx.msk [tilespmem:v18+s19+$0x0], $0xffff  }
0x145: {  	v29 =	vsub.f32 v29, v45;
	v22 =	vmax.f32 v22, $0.0e+00;
	v28 =	vsub.f32 v28, v51;
	v50 =	vld.idx.msk [tilespmem:v18+s20+$0x0], $0xffff  }
0x146: {  	v23 =	vmax.f32 v23, $0.0e+00;
	v51 =	vadd.f32 v42, v52;
	v26 =	vmul.f32 v30, v54;
	v52 =	vld.idx.msk [tilespmem:v21+s19+$0x0], $0xffff  }
0x147: {  	v16 =	vmax.f32 v16, $0.0e+00;
	v54 =	vadd.f32 v47, v38;
	v38 =	vmax.f32 v41, $0.0e+00;
	v41 =	vld.idx.msk [tilespmem:v21+s20+$0x0], $0xffff  }
0x148: {  	v28 =	vmax.f32 v28, $0.0e+00;
	v31 =	vmul.f32 v33, v44;
	v33 =	vmax.f32 v27, $0.0e+00;
	v30 =	vld.idx.msk [tilespmem:v19+s19+$0x0], $0xffff  }
.Ltmp2:
0x149: {  	v57 =	vmin.f32 v22, $1.000000000e+00;
	v22 =	vmax.f32 v29, $0.0e+00;
	v46 =	vadd.f32 v49, v56;
	v44 =	vld.idx.msk [tilespmem:v19+s20+$0x0], $0xffff;
	(pc) =	sbr.rel @p1 .LBB2_3-.Ltmp2, $4  }
0x14a: {  	v23 =	vmin.f32 v23, $1.000000000e+00;
	v47 =	vmin.f32 v38, $1.000000000e+00;
	v32 =	vmul.f32 v32, v48;
	v27 =	vld.idx.msk [tilespmem:v17+s19+$0x0], $0xffff  }
0x14b: {  	v43 =	vmin.f32 v16, $1.000000000e+00;
	v42 =	vmin.f32 v33, $1.000000000e+00;
	v45 =	vadd.f32 v55, v50;
	v38 =	vld.idx.msk [tilespmem:v17+s20+$0x0], $0xffff  }
0x14c: {  	v22 =	vmin.f32 v22, $1.000000000e+00;
	v28 =	vmin.f32 v28, $1.000000000e+00;
	v16 =	vmul.f32 v53, v52;
	v33 =	vld.idx.msk [tilespmem:v61+s18+$0x0], $0xffff  }
0x14d: {  	s13 =	sadd.s32 $0x80, s13;
	v29 =	vmul.f32 v51, v57;
	v23 =	vmul.f32 v54, v23;
	v40 =	vadd.f32 v40, v41;
	v39 =	vld.idx.msk [tilespmem:v39+s18+$0x0], $0xffff  }
0x14e: {  	_ =	sdelay $0x2  }
0x14f: {  	v7 =	vadd.f32 v7, v12  }
0x150: {  	v8 =	vadd.f32 v8, v15;
	v15 =	vmul.f32 v46, v47;
	v12 =	vld.idx.msk [tilespmem:v20+s18+$0x0], $0xffff;
	v5 =	vadd.f32 v5, v13  }
0x151: {  	v37 =	vadd.f32 v37, v44;
	v9 =	vadd.f32 v9, v14;
	v13 =	vld.idx.msk [tilespmem:v18+s18+$0x0], $0xffff;
	[tilespmem:s8+$0xFFFFFFE0] =	vst v7  }
0x152: {  	v6 =	vadd.f32 v6, v24;
	v7 =	vld.idx.msk [tilespmem:v21+s18+$0x0], $0xffff;
	[tilespmem:s8+$0xFFFFFFF0] =	vst v5;
	v5 =	vadd.f32 v11, v8  }
0x153: {  	v20 =	vmul.f32 v35, v30;
	v8 =	vld.idx.msk [tilespmem:v19+s18+$0x0], $0xffff;
	v11 =	vadd.f32 v25, v38;
	v14 =	vadd.f32 v36, v33  }
0x154: {  	[tilespmem:s8+$0x0] =	vst v6;
	v6 =	vld.idx.msk [tilespmem:v17+s18+$0x0], $0xffff;
	v9 =	vadd.f32 v10, v9;
	v18 =	vadd.f32 v26, v39  }
0x155: {  	v17 =	vmul.f32 v45, v43;
	[tilespmem:s8+$0x10] =	vst v5;
	v14 =	vadd.f32 v29, v14;
	v5 =	vadd.f32 v31, v12  }
0x156: {  	[tilespmem:s8+$0x20] =	vst v9;
	v12 =	vmul.f32 v40, v42;
	v10 =	vadd.f32 v32, v13;
	v18 =	vadd.f32 v23, v18  }
0x157: {  	v13 =	vmul.f32 v34, v27;
	[tilespmem:s9+$0xFFFFFFC0] =	vst v14;
	v7 =	vadd.f32 v16, v7;
	v5 =	vadd.f32 v15, v5  }
0x158: {  	v14 =	vmul.f32 v37, v28;
	v8 =	vadd.f32 v20, v8;
	v9 =	vadd.f32 v17, v10;
	[tilespmem:s9+$0xFFFFFFD0] =	vst v18  }
0x159: {  	v10 =	vmul.f32 v11, v22;
	v6 =	vadd.f32 v13, v6;
	[tilespmem:s9+$0xFFFFFFE0] =	vst v5;
	v5 =	vadd.f32 v12, v7  }
0x15a: {  	[tilespmem:s9+$0xFFFFFFF0] =	vst v9;
	v7 =	vadd.f32 v14, v8  }
0x15b: {  	p1 =	seq.s32 s6, $0xF;
	[tilespmem:s9+$0x0] =	vst v5;
	v5 =	vadd.f32 v10, v6  }
0x15c: {  	s7 =	sshrl.u32 s11, $0x3;
	s8 =	sshrl.u32 @!p1 s11, $0x3;
	[tilespmem:s9+$0x10] =	vst v7  }
0x15d: {  	s8 =	sadd.s32 @!p1 $0x400, s8;
	[tilespmem:s9+$0x20] =	vst v5;
	s9 =	sadd.s32 s3, s7  }
0x15e: {  	[hbm4b:s9+s4] =	stream.linear.scatter [tilespmem:s29], [sflag:$0x5], $0x1000, $0x38;
	[tilespmem:$0xA200] =	vst v63  }
0x15f: {  	s12 =	simm.s32 @!p1 $0x4200;
	s11 =	simm.s32 @!p1 $0x0;
	s9 =	sadd.s32 @!p1 s1, s8  }
0x160: {  	[tilespmem:s12], [sflag:$0x1] =	stream.linear.gather @!p1 [hbm4b:s9+s11], $0x1000, $0x38;
	[tilespmem:$0xA200] =	vst v63  }
0x161: {  	s8 =	sadd.s32 @!p1 s2, s8;
	s9 =	simm.s32 @!p1 $0x6200  }
0x162: {  	[tilespmem:s9], [sflag:$0x3] =	stream.linear.gather @!p1 [hbm4b:s8+s11], $0x1000, $0x38;
	[tilespmem:$0xA200] =	vst v63  }
0x163: {  	_ =	swait.ge [sflag:s30], $0x1000  }
0x164: {  	[sflag:s30] =	ssyncset.done $0x0  }
0x165: {  	[sflag:s30] =	ssyncadd.s32 $0xFFFFF000  }
0x166: {  	_ =	swait.ge [sflag:s31], $0x1000  }
0x167: {  	[sflag:s31] =	ssyncset.done $0x0  }
0x168: {  	s8 =	simm.s32 @!p0 $0x6;
	[sflag:s31] =	ssyncadd.s32 $0xFFFFF000  }
0x169: {  	_ =	swait.ge @!p0 [sflag:s8], $0x1000  }
0x16a: {  	[sflag:s8] =	ssyncset.done @!p0 $0x0  }
0x16b: {  	s11 =	simm.s32 $0x5240;
	[sflag:s8] =	ssyncadd.s32 @!p0 $0xFFFFF000  }
0x16c: {  	s12 =	simm.s32 $0x7240;
	v5 =	vld [tilespmem:s11+$0x30]  }
0x16d: {  	v6 =	vld [tilespmem:s12+$0x30]  }
0x16e: {  	v7 =	vld [tilespmem:s12+$0xFFFFFFC0]  }
0x16f: {  	v8 =	vld [tilespmem:s11+$0xFFFFFFD0]  }
0x170: {  	v12 =	vld [tilespmem:s11+$0xFFFFFFF0]  }
0x171: {  	v13 =	vld [tilespmem:s12+$0xFFFFFFF0]  }
0x172: {  	v19 =	vld [tilespmem:s11+$0x10]  }
0x173: {  	v22 =	vld [tilespmem:s12+$0x20]  }
0x174: {  	v9 =	vld [tilespmem:s12+$0xFFFFFFD0]  }
0x175: {  	v5 =	vmul.f32 v5, v1;
	v6 =	vmul.f32 v6, v3  }
0x176: {  	v10 =	vld [tilespmem:s11+$0xFFFFFFE0];
	v7 =	vmul.f32 v7, v3;
	v12 =	vmul.f32 v12, v1  }
0x177: {  	v11 =	vld [tilespmem:s12+$0xFFFFFFE0];
	v13 =	vmul.f32 v13, v3;
	v26 =	vmul.f32 v19, v1  }
0x178: {  	v28 =	vmul.f32 v22, v3;
	v14 =	vadd.f32 v5, v2;
	v15 =	vadd.f32 v6, v4  }
0x179: {  	v6 =	vmul.f32 v8, v1;
	v8 =	vmul.f32 v9, v3;
	v5 =	vadd.f32 v7, v4  }
0x17a: {  	v9 =	vld [tilespmem:s11+$0x0];
	v22 =	vadd.f32 v26, v2;
	v16 =	vtrunc.f32 v14;
	v17 =	vtrunc.f32 v15  }
0x17b: {  	v7 =	vld [tilespmem:s12+$0x0];
	v18 =	vadd.f32 v6, v2;
	v6 =	vadd.f32 v8, v4;
	v8 =	vmul.f32 v10, v1  }
0x17c: {  	v10 =	vmul.f32 v11, v3;
	v54 =	vtrunc.f32 v22  }
0x17d: {  	v11 =	vld [tilespmem:s12+$0x10];
	v16 =	vcvt.f32.s32 v16;
	v17 =	vcvt.f32.s32 v17  }
0x17e: {  	v57 =	vcvt.f32.s32 v54;
	v26 =	vtrunc.f32 v6  }
0x17f: {  	v20 =	vld [tilespmem:s11+$0x20];
	vm0 =	vlt.s32 v16, $0xB;
	vm1 =	vlt.s32 v17, $0x9;
	v9 =	vmul.f32 v9, v1  }
0x180: {  	v25 =	vmul.f32 v7, v3;
	v16 =	vnsel vm0, $0xB, v16;
	v17 =	vnsel vm1, $0x9, v17  }
0x181: {  	v21 =	vld [tilespmem:s11+$0xFFFFFFC0];
	vm10 =	vlt.s32 v57, $0xB;
	v23 =	vshll.u32 v16, $0x8;
	v24 =	vshll.u32 v17, $0x4  }
0x182: {  	v32 =	vnsel vm10, $0xB, v57;
	v11 =	vmul.f32 v11, v3;
	v7 =	vadd.s32 v23, v24  }
0x183: {  	v17 =	vcvt.s32.f32 v17;
	v23 =	vor.u32 v0, v24;
	v7 =	vand.u32 $0xFFFFFF80, v7  }
0x184: {  	v19 =	vand.u32 $0x7F, v23;
	v23 =	vmul.f32 v20, v1;
	v20 =	vadd.f32 v9, v2  }
0x185: {  	v9 =	vadd.f32 v25, v4;
	v27 =	vor.u32 v19, v7;
	v19 =	vadd.f32 v8, v2  }
0x186: {  	v8 =	vadd.f32 v10, v4;
	v10 =	vmul.f32 v21, v1;
	v21 =	vadd.f32 v12, v2  }
0x187: {  	v7 =	vadd.f32 v13, v4;
	v12 =	vtrunc.f32 v5;
	v13 =	vtrunc.f32 v18  }
0x188: {  	v15 =	vsub.f32 v15, v17;
	v52 =	vtrunc.f32 v20;
	v53 =	vtrunc.f32 v9  }
0x189: {  	v23 =	vadd.f32 v23, v2;
	v12 =	vcvt.f32.s32 v12;
	v13 =	vcvt.f32.s32 v13  }
0x18a: {  	v24 =	vadd.f32 v10, v2;
	v10 =	vadd.f32 v11, v4;
	v11 =	vcvt.s32.f32 v16  }
0x18b: {  	v15 =	vmax.f32 v15, $0.0e+00;
	v29 =	vtrunc.f32 v19;
	v31 =	vtrunc.f32 v8  }
0x18c: {  	v50 =	vtrunc.f32 v21;
	v51 =	vtrunc.f32 v7;
	v15 =	vmin.f32 v15, $1.000000000e+00  }
0x18d: {  	v55 =	vtrunc.f32 v23;
	vm1 =	vlt.s32 v12, $0x9;
	vm2 =	vlt.s32 v13, $0xB  }
0x18e: {  	v16 =	vtrunc.f32 v24;
	v14 =	vsub.f32 v14, v11;
	v11 =	vadd.f32 v28, v4  }
0x18f: {  	v17 =	vtrunc.f32 v10;
	v58 =	vcvt.f32.s32 v55;
	v35 =	vnsel vm1, $0x9, v12  }
0x190: {  	v36 =	vnsel vm2, $0xB, v13;
	v16 =	vcvt.f32.s32 v16;
	v17 =	vcvt.f32.s32 v17  }
0x191: {  	v25 =	vld.idx.msk [tilespmem:v27+s21+$0x0], $0xffff;
	v13 =	vshll.u32 v35, $0x4;
	v14 =	vmax.f32 v14, $0.0e+00;
	v56 =	vtrunc.f32 v11  }
0x192: {  	v30 =	vld.idx.msk [tilespmem:v27+s19+$0x0], $0xffff;
	vm0 =	vlt.s32 v58, $0xB;
	v14 =	vmin.f32 v14, $1.000000000e+00;
	vm15 =	vlt.s32 v16, $0xB  }
0x193: {  	v59 =	vcvt.f32.s32 v56;
	vm11 =	vlt.s32 v17, $0x9;
	v33 =	vnsel vm0, $0xB, v58  }
0x194: {  	v28 =	vld.idx.msk [tilespmem:v27+s20+$0x0], $0xffff;
	v16 =	vnsel vm15, $0xB, v16;
	v38 =	vnsel vm11, $0x9, v17;
	v55 =	vshll.u32 v33, $0x8  }
0x195: {  	v27 =	vld.idx.msk [tilespmem:v27+s18+$0x0], $0xffff;
	v33 =	vcvt.s32.f32 v33;
	vm12 =	vlt.s32 v59, $0x9;
	v12 =	vshll.u32 v16, $0x8  }
0x196: {  	v54 =	vshll.u32 v38, $0x4;
	v38 =	vcvt.s32.f32 v38;
	v25 =	vmul.f32 v14, v25  }
0x197: {  	v14 =	vmul.f32 v14, v30;
	v30 =	vcvt.f32.s32 v52;
	v34 =	vnsel vm12, $0x9, v59  }
0x198: {  	v12 =	vadd.s32 v12, v13;
	v13 =	vor.u32 v0, v13;
	v46 =	vor.u32 v0, v54  }
0x199: {  	v23 =	vsub.f32 v23, v33;
	v48 =	vshll.u32 v34, $0x4;
	v12 =	vand.u32 $0xFFFFFF80, v12  }
0x19a: {  	v13 =	vand.u32 $0x7F, v13;
	v14 =	vadd.f32 v14, v27;
	v27 =	vcvt.f32.s32 v31  }
0x19b: {  	v25 =	vadd.f32 v25, v28;
	v28 =	vcvt.f32.s32 v50;
	v31 =	vcvt.f32.s32 v53  }
0x19c: {  	vm8 =	vlt.s32 v30, $0xB;
	v53 =	vshll.u32 v32, $0x8;
	v47 =	vadd.s32 v55, v48  }
0x19d: {  	v48 =	vor.u32 v0, v48;
	v49 =	vor.u32 v13, v12;
	v30 =	vnsel vm8, $0xB, v30  }
0x19e: {  	v45 =	vadd.s32 v53, v54;
	v25 =	vmul.f32 v25, v15;
	v15 =	vcvt.f32.s32 v26  }
0x19f: {  	v59 =	vand.u32 $0xFFFFFF80, v47;
	v26 =	vcvt.f32.s32 v29;
	v29 =	vcvt.f32.s32 v51  }
0x1a0: {  	vm5 =	vlt.s32 v27, $0x9;
	vm6 =	vlt.s32 v28, $0xB;
	vm9 =	vlt.s32 v31, $0x9  }
0x1a1: {  	v63 =	vshll.u32 v30, $0x8;
	v27 =	vnsel vm5, $0x9, v27;
	v28 =	vnsel vm6, $0xB, v28  }
0x1a2: {  	v31 =	vnsel vm9, $0x9, v31;
	vm3 =	vlt.s32 v15, $0x9;
	vm4 =	vlt.s32 v26, $0xB  }
0x1a3: {  	vm7 =	vlt.s32 v29, $0x9;
	v61 =	vshll.u32 v27, $0x4;
	v41 =	vshll.u32 v28, $0x8  }
0x1a4: {  	v52 =	vshll.u32 v31, $0x4;
	v37 =	vnsel vm3, $0x9, v15;
	v26 =	vnsel vm4, $0xB, v26  }
0x1a5: {  	v29 =	vnsel vm7, $0x9, v29;
	v15 =	vshll.u32 v36, $0x8;
	v40 =	vor.u32 v0, v61  }
0x1a6: {  	v43 =	vadd.s32 v63, v52;
	v44 =	vor.u32 v0, v52;
	v17 =	vshll.u32 v37, $0x4  }
0x1a7: {  	v60 =	vshll.u32 v26, $0x8;
	v62 =	vshll.u32 v29, $0x4;
	v12 =	vand.u32 $0x7F, v40  }
0x1a8: {  	v52 =	vcvt.s32.f32 v37;
	v15 =	vadd.s32 v15, v17;
	v17 =	vor.u32 v0, v17  }
0x1a9: {  	v39 =	vadd.s32 v60, v61;
	v41 =	vadd.s32 v41, v62;
	v42 =	vor.u32 v0, v62  }
0x1aa: {  	v60 =	vand.u32 $0x7F, v48;
	v61 =	vcvt.s32.f32 v16;
	v16 =	vadd.f32 v25, v14  }
0x1ab: {  	v51 =	vld.idx.msk [tilespmem:v49+s19+$0x0], $0xffff;
	v25 =	vcvt.s32.f32 v36;
	v15 =	vand.u32 $0xFFFFFF80, v15;
	v17 =	vand.u32 $0x7F, v17  }
0x1ac: {  	v53 =	vld.idx.msk [tilespmem:v49+s20+$0x0], $0xffff;
	v39 =	vand.u32 $0xFFFFFF80, v39;
	v56 =	vand.u32 $0xFFFFFF80, v41;
	v14 =	vor.u32 v60, v59  }
0x1ad: {  	s8 =	simm.s32 $0x72C0;
	v62 =	vld.idx.msk [tilespmem:v49+s21+$0x0], $0xffff;
	v6 =	vsub.f32 v6, v52;
	v41 =	vor.u32 v17, v15;
	v15 =	vand.u32 $0x7F, v42  }
0x1ae: {  	v52 =	vld [tilespmem:s8+$0x10];
	v13 =	vor.u32 v12, v39;
	v24 =	vsub.f32 v24, v61;
	v18 =	vsub.f32 v18, v25  }
0x1af: {  	v25 =	vcvt.s32.f32 v32;
	v12 =	vor.u32 v15, v56;
	v15 =	vand.u32 $0x7F, v46;
	v46 =	vld.idx.msk [tilespmem:v49+s18+$0x0], $0xffff  }
0x1b0: {  	v34 =	vcvt.s32.f32 v34;
	v10 =	vsub.f32 v10, v38;
	v49 =	vld [tilespmem:s8+$0xFFFFFFE0];
	v24 =	vmax.f32 v24, $0.0e+00  }
0x1b1: {  	v23 =	vmax.f32 v23, $0.0e+00;
	v22 =	vsub.f32 v22, v25;
	v24 =	vmin.f32 v24, $1.000000000e+00;
	v25 =	vld.idx.msk [tilespmem:v14+s21+$0x0], $0xffff  }
0x1b2: {  	v23 =	vmin.f32 v23, $1.000000000e+00;
	v11 =	vsub.f32 v11, v34;
	v42 =	vmul.f32 v24, v62;
	v62 =	vld.idx.msk [tilespmem:v14+s19+$0x0], $0xffff  }
0x1b3: {  	v10 =	vmax.f32 v10, $0.0e+00;
	v58 =	vand.u32 $0xFFFFFF80, v45;
	v30 =	vcvt.s32.f32 v30;
	v63 =	vld.idx.msk [tilespmem:v41+s21+$0x0], $0xffff  }
0x1b4: {  	v10 =	vmin.f32 v10, $1.000000000e+00;
	v47 =	vmax.f32 v11, $0.0e+00;
	v28 =	vcvt.s32.f32 v28;
	v48 =	vld.idx.msk [tilespmem:v13+s21+$0x0], $0xffff  }
0x1b5: {  	v20 =	vsub.f32 v20, v30;
	v57 =	vand.u32 $0x7F, v44;
	v17 =	vand.u32 $0xFFFFFF80, v43;
	v54 =	vld.idx.msk [tilespmem:v41+s19+$0x0], $0xffff  }
0x1b6: {  	v30 =	vcvt.s32.f32 v35;
	v27 =	vcvt.s32.f32 v27;
	v17 =	vor.u32 v57, v17;
	v55 =	vld.idx.msk [tilespmem:v41+s20+$0x0], $0xffff  }
0x1b7: {  	v31 =	vcvt.s32.f32 v31;
	v26 =	vcvt.s32.f32 v26;
	v21 =	vsub.f32 v21, v28;
	v56 =	vld.idx.msk [tilespmem:v13+s19+$0x0], $0xffff  }
0x1b8: {  	v20 =	vmax.f32 v20, $0.0e+00;
	v5 =	vsub.f32 v5, v30;
	v15 =	vor.u32 v15, v58;
	v57 =	vld.idx.msk [tilespmem:v13+s20+$0x0], $0xffff  }
0x1b9: {  	v29 =	vcvt.s32.f32 v29;
	v8 =	vsub.f32 v8, v27;
	v9 =	vsub.f32 v9, v31;
	v41 =	vld.idx.msk [tilespmem:v41+s18+$0x0], $0xffff  }
0x1ba: {  	v20 =	vmin.f32 v20, $1.000000000e+00;
	v19 =	vsub.f32 v19, v26;
	v21 =	vmax.f32 v21, $0.0e+00;
	v50 =	vld.idx.msk [tilespmem:v12+s21+$0x0], $0xffff  }
0x1bb: {  	v7 =	vsub.f32 v7, v29;
	v5 =	vmax.f32 v5, $0.0e+00;
	v8 =	vmax.f32 v8, $0.0e+00;
	v26 =	vld.idx.msk [tilespmem:v17+s21+$0x0], $0xffff  }
0x1bc: {  	v9 =	vmax.f32 v9, $0.0e+00;
	v21 =	vmin.f32 v21, $1.000000000e+00;
	v5 =	vmin.f32 v5, $1.000000000e+00;
	v58 =	vld.idx.msk [tilespmem:v12+s19+$0x0], $0xffff  }
0x1bd: {  	v8 =	vmin.f32 v8, $1.000000000e+00;
	v9 =	vmin.f32 v9, $1.000000000e+00;
	v19 =	vmax.f32 v19, $0.0e+00;
	v28 =	vld.idx.msk [tilespmem:v15+s21+$0x0], $0xffff  }
0x1be: {  	v6 =	vmax.f32 v6, $0.0e+00;
	v7 =	vmax.f32 v7, $0.0e+00;
	v18 =	vmax.f32 v18, $0.0e+00;
	v59 =	vld.idx.msk [tilespmem:v12+s20+$0x0], $0xffff  }
0x1bf: {  	s13 =	simm.s32 $0x52C0;
	v19 =	vmin.f32 v19, $1.000000000e+00;
	v6 =	vmin.f32 v6, $1.000000000e+00;
	v18 =	vmin.f32 v18, $1.000000000e+00;
	v29 =	vld.idx.msk [tilespmem:v17+s20+$0x0], $0xffff  }
0x1c0: {  	v22 =	vmax.f32 v22, $0.0e+00;
	v33 =	vmul.f32 v24, v51;
	v60 =	vadd.f32 v42, v53;
	v53 =	vld [tilespmem:s13+$0x20]  }
0x1c1: {  	v22 =	vmin.f32 v22, $1.000000000e+00;
	v31 =	vld.idx.msk [tilespmem:v15+s19+$0x0], $0xffff;
	v25 =	vmul.f32 v23, v25;
	v30 =	vmul.f32 v18, v63  }
0x1c2: {  	v11 =	vmin.f32 v7, $1.000000000e+00;
	v39 =	vmul.f32 v19, v48;
	v27 =	vmul.f32 v22, v28;
	v28 =	vld.idx.msk [tilespmem:v17+s19+$0x0], $0xffff  }
0x1c3: {  	v61 =	vld.idx.msk [tilespmem:v15+s20+$0x0], $0xffff;
	v18 =	vmul.f32 v18, v54;
	v32 =	vmul.f32 v21, v50;
	v30 =	vadd.f32 v30, v55  }
0x1c4: {  	v19 =	vmul.f32 v19, v56;
	v63 =	vld.idx.msk [tilespmem:v14+s20+$0x0], $0xffff;
	v26 =	vmul.f32 v20, v26;
	v39 =	vadd.f32 v39, v57  }
0x1c5: {  	v48 =	vld [tilespmem:s13+$0x30];
	v21 =	vmul.f32 v21, v58;
	v32 =	vadd.f32 v32, v59;
	v30 =	vmul.f32 v30, v6  }
0x1c6: {  	v50 =	vld [tilespmem:s8+$0xFFFFFFF0];
	v6 =	vadd.f32 v26, v29;
	v7 =	vmul.f32 v39, v8;
	v8 =	vmul.f32 v22, v31  }
0x1c7: {  	v26 =	vld [tilespmem:s8+$0xFFFFFFC0];
	v22 =	vadd.f32 v33, v46;
	v33 =	vmul.f32 v52, v3;
	v24 =	vmul.f32 v20, v28  }
0x1c8: {  	v20 =	vmul.f32 v60, v5;
	v28 =	vld [tilespmem:s8+$0x30];
	v5 =	vmul.f32 v32, v11;
	v11 =	vadd.f32 v27, v61  }
0x1c9: {  	v18 =	vadd.f32 v18, v41;
	v6 =	vmul.f32 v6, v9;
	v9 =	vmul.f32 v23, v62;
	v27 =	vld [tilespmem:s13+$0xFFFFFFD0]  }
0x1ca: {  	v29 =	vld [tilespmem:s8+$0xFFFFFFD0];
	v23 =	vmin.f32 v47, $1.000000000e+00;
	v60 =	vmul.f32 v53, v1;
	v11 =	vmul.f32 v11, v10  }
0x1cb: {  	v10 =	vadd.f32 v25, v63;
	v25 =	vmul.f32 v48, v1;
	v22 =	vadd.f32 v20, v22;
	v20 =	vld [tilespmem:s13+$0xFFFFFFF0]  }
0x1cc: {  	v31 =	vld [tilespmem:s13+$0xFFFFFFE0];
	v54 =	vmul.f32 v50, v3;
	v26 =	vmul.f32 v26, v3;
	v37 =	vadd.f32 v60, v2  }
0x1cd: {  	v10 =	vmul.f32 v10, v23;
	v40 =	vadd.f32 v25, v2;
	v28 =	vmul.f32 v28, v3  }
0x1ce: {  	v23 =	vadd.f32 v30, v18;
	v25 =	vadd.f32 v26, v4;
	v18 =	vmul.f32 v27, v1  }
0x1cf: {  	v27 =	vmul.f32 v29, v3;
	v29 =	vld [tilespmem:s8+$0x0];
	v26 =	vtrunc.f32 v40;
	v41 =	vadd.f32 v28, v4  }
0x1d0: {  	v28 =	vld [tilespmem:s13+$0x0];
	v32 =	vadd.f32 v18, v2;
	v51 =	vcvt.f32.s32 v26;
	v20 =	vmul.f32 v20, v1  }
0x1d1: {  	v18 =	vld [tilespmem:s13+$0x10];
	v26 =	vadd.f32 v27, v4;
	v27 =	vmul.f32 v31, v1;
	v31 =	vmul.f32 v49, v3  }
0x1d2: {  	v30 =	vtrunc.f32 v41;
	v35 =	vadd.f32 v20, v2;
	v20 =	vtrunc.f32 v25  }
0x1d3: {  	vm10 =	vlt.s32 v51, $0xB;
	v46 =	vtrunc.f32 v32;
	v30 =	vcvt.f32.s32 v30  }
0x1d4: {  	v44 =	vtrunc.f32 v26;
	v56 =	vnsel vm10, $0xB, v51;
	v29 =	vmul.f32 v29, v3  }
0x1d5: {  	v20 =	vcvt.f32.s32 v20;
	v51 =	vtrunc.f32 v35;
	vm11 =	vlt.s32 v30, $0x9  }
0x1d6: {  	v13 =	vld.idx.msk [tilespmem:v13+s18+$0x0], $0xffff;
	v58 =	vmul.f32 v28, v1;
	v28 =	vshll.u32 v56, $0x8;
	v18 =	vmul.f32 v18, v1  }
0x1d7: {  	v55 =	vld [tilespmem:s8+$0x20];
	v29 =	vadd.f32 v29, v4;
	vm13 =	vlt.s32 v20, $0x9;
	v57 =	vnsel vm11, $0x9, v30  }
0x1d8: {  	v30 =	vld [tilespmem:s13+$0xFFFFFFC0];
	v59 =	vshll.u32 v57, $0x4;
	v36 =	vadd.f32 v58, v2;
	v38 =	vadd.f32 v18, v2  }
0x1d9: {  	v18 =	vld.idx.msk [tilespmem:v12+s18+$0x0], $0xffff;
	v12 =	vcvt.s32.f32 v56;
	v28 =	vadd.s32 v28, v59;
	v34 =	vor.u32 v0, v59  }
0x1da: {  	v59 =	vcvt.s32.f32 v57;
	v28 =	vand.u32 $0xFFFFFF80, v28;
	v34 =	vand.u32 $0x7F, v34  }
0x1db: {  	v40 =	vsub.f32 v40, v12;
	v12 =	vadd.f32 v19, v13;
	v19 =	vtrunc.f32 v36  }
0x1dc: {  	v53 =	vtrunc.f32 v38;
	v61 =	vor.u32 v34, v28;
	v34 =	vadd.f32 v27, v2  }
0x1dd: {  	v28 =	vadd.f32 v31, v4;
	v31 =	vmul.f32 v55, v3;
	v27 =	vadd.f32 v54, v4  }
0x1de: {  	v19 =	vcvt.f32.s32 v19;
	v30 =	vmul.f32 v30, v1;
	v13 =	vmax.f32 v40, $0.0e+00  }
0x1df: {  	v40 =	vsub.f32 v41, v59;
	v59 =	vcvt.f32.s32 v51;
	v51 =	vnsel vm13, $0x9, v20  }
0x1e0: {  	v31 =	vadd.f32 v31, v4;
	v48 =	vtrunc.f32 v34;
	v49 =	vtrunc.f32 v28  }
0x1e1: {  	v52 =	vtrunc.f32 v27;
	v54 =	vmin.f32 v13, $1.000000000e+00;
	v13 =	vadd.f32 v21, v18  }
0x1e2: {  	vm8 =	vlt.s32 v19, $0xB;
	v39 =	vadd.f32 v30, v2;
	v30 =	vadd.f32 v33, v4;
	v62 =	vld.idx.msk [tilespmem:v61+s21+$0x0], $0xffff  }
0x1e3: {  	v18 =	vmax.f32 v40, $0.0e+00;
	v57 =	vcvt.f32.s32 v48;
	v58 =	vcvt.f32.s32 v49;
	v63 =	vld.idx.msk [tilespmem:v61+s19+$0x0], $0xffff  }
0x1e4: {  	vm6 =	vlt.s32 v59, $0xB;
	v56 =	vtrunc.f32 v31;
	v18 =	vmin.f32 v18, $1.000000000e+00;
	v50 =	vld.idx.msk [tilespmem:v61+s20+$0x0], $0xffff  }
0x1e5: {  	v47 =	vnsel vm6, $0xB, v59;
	v42 =	vtrunc.f32 v39;
	v60 =	vld.idx.msk [tilespmem:v61+s18+$0x0], $0xffff;
	v61 =	vtrunc.f32 v29  }
0x1e6: {  	v55 =	vtrunc.f32 v30;
	vm4 =	vlt.s32 v57, $0xB;
	v40 =	vcvt.f32.s32 v42  }
0x1e7: {  	vm5 =	vlt.s32 v58, $0x9;
	v33 =	vmul.f32 v54, v62;
	v62 =	vtrunc.f32 v37  }
0x1e8: {  	vm12 =	vlt.s32 v40, $0xB;
	v21 =	vmul.f32 v54, v63;
	v63 =	vcvt.f32.s32 v46  }
0x1e9: {  	v54 =	vcvt.f32.s32 v44;
	v44 =	vnsel vm4, $0xB, v57;
	v46 =	vnsel vm5, $0x9, v58  }
0x1ea: {  	v57 =	vshll.u32 v47, $0x8;
	v47 =	vcvt.s32.f32 v47;
	v41 =	vcvt.f32.s32 v62  }
0x1eb: {  	v62 =	vcvt.f32.s32 v56;
	v56 =	vshll.u32 v46, $0x4;
	v46 =	vcvt.s32.f32 v46  }
0x1ec: {  	v33 =	vadd.f32 v33, v50;
	v21 =	vadd.f32 v21, v60;
	vm14 =	vlt.s32 v63, $0xB  }
0x1ed: {  	v60 =	vcvt.f32.s32 v53;
	vm15 =	vlt.s32 v54, $0x9;
	v50 =	vnsel vm12, $0xB, v40  }
0x1ee: {  	v53 =	vnsel vm8, $0xB, v19;
	v19 =	vshll.u32 v51, $0x4;
	v35 =	vsub.f32 v35, v47  }
0x1ef: {  	v42 =	vnsel vm14, $0xB, v63;
	vm14 =	vlt.s32 v41, $0xB;
	v43 =	vnsel vm15, $0x9, v54  }
0x1f0: {  	vm15 =	vlt.s32 v62, $0x9;
	v59 =	vshll.u32 v53, $0x8;
	v28 =	vsub.f32 v28, v46  }
0x1f1: {  	v18 =	vmul.f32 v33, v18;
	vm12 =	vlt.s32 v60, $0xB;
	v49 =	vnsel vm15, $0x9, v62  }
0x1f2: {  	v20 =	vshll.u32 v42, $0x8;
	v42 =	vcvt.s32.f32 v42;
	v35 =	vmax.f32 v35, $0.0e+00  }
0x1f3: {  	v45 =	vnsel vm12, $0xB, v60;
	v33 =	vadd.f32 v18, v21;
	v18 =	vcvt.f32.s32 v52  }
0x1f4: {  	v21 =	vcvt.f32.s32 v61;
	v61 =	vcvt.f32.s32 v55;
	v55 =	vnsel vm14, $0xB, v41  }
0x1f5: {  	v41 =	vshll.u32 v44, $0x8;
	v44 =	vcvt.s32.f32 v44;
	v32 =	vsub.f32 v32, v42  }
0x1f6: {  	v28 =	vmax.f32 v28, $0.0e+00;
	vm7 =	vlt.s32 v18, $0x9;
	vm9 =	vlt.s32 v21, $0x9  }
0x1f7: {  	vm13 =	vlt.s32 v61, $0x9;
	v34 =	vsub.f32 v34, v44;
	v32 =	vmax.f32 v32, $0.0e+00  }
0x1f8: {  	v52 =	vnsel vm7, $0x9, v18;
	v54 =	vnsel vm9, $0x9, v21;
	v48 =	vnsel vm13, $0x9, v61  }
0x1f9: {  	v18 =	vshll.u32 v50, $0x8;
	v21 =	vshll.u32 v43, $0x4;
	v50 =	vcvt.s32.f32 v50  }
0x1fa: {  	v43 =	vcvt.s32.f32 v43;
	v32 =	vmin.f32 v32, $1.000000000e+00;
	v58 =	vshll.u32 v52, $0x4  }
0x1fb: {  	v18 =	vadd.s32 v18, v19;
	v19 =	vor.u32 v0, v19;
	v60 =	vshll.u32 v54, $0x4  }
0x1fc: {  	v20 =	vadd.s32 v20, v21;
	v21 =	vor.u32 v0, v21;
	v61 =	vshll.u32 v48, $0x4  }
0x1fd: {  	v34 =	vmax.f32 v34, $0.0e+00;
	v48 =	vcvt.s32.f32 v48;
	v18 =	vand.u32 $0xFFFFFF80, v18  }
0x1fe: {  	v19 =	vand.u32 $0x7F, v19;
	v63 =	vor.u32 v0, v58;
	v62 =	vadd.s32 v59, v60  }
0x1ff: {  	v39 =	vsub.f32 v39, v50;
	v40 =	vor.u32 v19, v18;
	v18 =	vand.u32 $0xFFFFFF80, v20  }
0x200: {  	v20 =	vand.u32 $0x7F, v21;
	v21 =	vadd.s32 v41, v56;
	v56 =	vor.u32 v0, v56  }
0x201: {  	v41 =	vor.u32 v20, v18;
	v18 =	vand.u32 $0xFFFFFF80, v21;
	v20 =	vand.u32 $0x7F, v56  }
0x202: {  	v21 =	vadd.s32 v57, v58;
	v57 =	vshll.u32 v55, $0x8;
	v58 =	vld.idx.msk [tilespmem:v17+s18+$0x0], $0xffff;
	v17 =	vor.u32 v0, v60  }
0x203: {  	v20 =	vor.u32 v20, v18;
	v18 =	vand.u32 $0xFFFFFF80, v21;
	v21 =	vand.u32 $0x7F, v63  }
0x204: {  	v15 =	vld.idx.msk [tilespmem:v15+s18+$0x0], $0xffff;
	v56 =	vand.u32 $0xFFFFFF80, v62;
	v18 =	vor.u32 v21, v18;
	v21 =	vshll.u32 v49, $0x4  }
0x205: {  	v14 =	vld.idx.msk [tilespmem:v14+s18+$0x0], $0xffff;
	v17 =	vand.u32 $0x7F, v17;
	v57 =	vadd.s32 v57, v21;
	v21 =	vor.u32 v0, v21  }
0x206: {  	s11 =	simm.s32 $0x92C0;
	v19 =	vshll.u32 v45, $0x8;
	v60 =	vand.u32 $0x7F, v21;
	v21 =	vor.u32 v17, v56;
	v56 =	vld.idx.msk [tilespmem:v40+s19+$0x0], $0xffff  }
0x207: {  	[tilespmem:s11+$0x30] =	vst v33;
	v19 =	vadd.s32 v19, v61;
	v63 =	vor.u32 v0, v61;
	v57 =	vand.u32 $0xFFFFFF80, v57;
	v33 =	vld.idx.msk [tilespmem:v40+s18+$0x0], $0xffff  }
0x208: {  	v61 =	vcvt.s32.f32 v45;
	v17 =	vor.u32 v60, v57;
	v60 =	vcvt.s32.f32 v53;
	v53 =	vld.idx.msk [tilespmem:v40+s21+$0x0], $0xffff  }
0x209: {  	v26 =	vsub.f32 v26, v43;
	v62 =	vcvt.s32.f32 v55;
	v39 =	vmax.f32 v39, $0.0e+00;
	v55 =	vld.idx.msk [tilespmem:v41+s21+$0x0], $0xffff  }
0x20a: {  	v19 =	vand.u32 $0xFFFFFF80, v19;
	v45 =	vcvt.s32.f32 v51;
	v38 =	vsub.f32 v38, v61;
	v57 =	vld.idx.msk [tilespmem:v40+s20+$0x0], $0xffff  }
0x20b: {  	v51 =	vcvt.s32.f32 v52;
	v52 =	vcvt.s32.f32 v54;
	v59 =	vand.u32 $0x7F, v63;
	v61 =	vld.idx.msk [tilespmem:v41+s19+$0x0], $0xffff  }
0x20c: {  	v37 =	vsub.f32 v37, v62;
	v19 =	vor.u32 v59, v19;
	v38 =	vmax.f32 v38, $0.0e+00;
	v44 =	vld.idx.msk [tilespmem:v20+s21+$0x0], $0xffff  }
0x20d: {  	v59 =	vmin.f32 v35, $1.000000000e+00;
	v35 =	vmin.f32 v38, $1.000000000e+00;
	v38 =	vsub.f32 v25, v45;
	v45 =	vld.idx.msk [tilespmem:v41+s20+$0x0], $0xffff  }
0x20e: {  	v30 =	vsub.f32 v30, v48;
	v39 =	vmin.f32 v39, $1.000000000e+00;
	v49 =	vcvt.s32.f32 v49;
	v43 =	vld.idx.msk [tilespmem:v20+s19+$0x0], $0xffff  }
0x20f: {  	v27 =	vsub.f32 v27, v51;
	v29 =	vsub.f32 v29, v52;
	v37 =	vmax.f32 v37, $0.0e+00;
	v46 =	vld.idx.msk [tilespmem:v20+s20+$0x0], $0xffff  }
0x210: {  	v63 =	vsub.f32 v31, v49;
	v49 =	vmax.f32 v26, $0.0e+00;
	v24 =	vadd.f32 v24, v58;
	v42 =	vld.idx.msk [tilespmem:v18+s21+$0x0], $0xffff  }
0x211: {  	v58 =	vmin.f32 v34, $1.000000000e+00;
	v34 =	vmin.f32 v37, $1.000000000e+00;
	v36 =	vsub.f32 v36, v60;
	v50 =	vld.idx.msk [tilespmem:v19+s21+$0x0], $0xffff  }
0x212: {  	s9 =	simm.s32 $0x9240;
	v29 =	vmax.f32 v29, $0.0e+00;
	v49 =	vmin.f32 v49, $1.000000000e+00;
	v63 =	vmax.f32 v63, $0.0e+00;
	v47 =	vld.idx.msk [tilespmem:v21+s21+$0x0], $0xffff  }
0x213: {  	[tilespmem:s9+$0xFFFFFFC0] =	vst v22;
	v22 =	vmin.f32 v63, $1.000000000e+00;
	v38 =	vmax.f32 v38, $0.0e+00;
	v36 =	vmax.f32 v36, $0.0e+00;
	v54 =	vld.idx.msk [tilespmem:v17+s21+$0x0], $0xffff  }
0x214: {  	v51 =	vld.idx.msk [tilespmem:v21+s19+$0x0], $0xffff;
	v60 =	vmin.f32 v36, $1.000000000e+00;
	v53 =	vmul.f32 v39, v53;
	v55 =	vmul.f32 v32, v55  }
0x215: {  	v36 =	vmul.f32 v39, v56;
	v39 =	vld.idx.msk [tilespmem:v18+s19+$0x0], $0xffff;
	v26 =	vmul.f32 v32, v61;
	v61 =	vmin.f32 v38, $1.000000000e+00  }
0x216: {  	v44 =	vmul.f32 v58, v44;
	v31 =	vmul.f32 v58, v43;
	v48 =	vadd.f32 v53, v57;
	v53 =	vld.idx.msk [tilespmem:v21+s20+$0x0], $0xffff  }
0x217: {  	v42 =	vmul.f32 v59, v42;
	v52 =	vadd.f32 v55, v45;
	v37 =	vmul.f32 v35, v50;
	v50 =	vld.idx.msk [tilespmem:v18+s20+$0x0], $0xffff  }
0x218: {  	v45 =	vmax.f32 v27, $0.0e+00;
	v25 =	vmul.f32 v34, v54;
	v54 =	vmax.f32 v30, $0.0e+00;
	v30 =	vld.idx.msk [tilespmem:v19+s19+$0x0], $0xffff  }
0x219: {  	[tilespmem:s9+$0x30] =	vst v16;
	v46 =	vadd.f32 v44, v46;
	v44 =	vld.idx.msk [tilespmem:v19+s20+$0x0], $0xffff;
	v43 =	vmin.f32 v45, $1.000000000e+00;
	v62 =	vmul.f32 v60, v47  }
0x21a: {  	[tilespmem:s9+$0xFFFFFFD0] =	vst v23;
	v27 =	vld.idx.msk [tilespmem:v17+s19+$0x0], $0xffff;
	v47 =	vmin.f32 v28, $1.000000000e+00;
	v16 =	vmul.f32 v60, v51;
	v23 =	vmul.f32 v52, v49  }
0x21b: {  	v38 =	vld.idx.msk [tilespmem:v17+s20+$0x0], $0xffff;
	v32 =	vmul.f32 v59, v39;
	v28 =	vmin.f32 v54, $1.000000000e+00;
	v40 =	vadd.f32 v62, v53  }
0x21c: {  	s12 =	simm.s32 $0x80;
	s13 =	simm.s32 $0x5340;
	v39 =	vld.idx.msk [tilespmem:v41+s18+$0x0], $0xffff;
	v45 =	vadd.f32 v42, v50;
	v42 =	vmin.f32 v29, $1.000000000e+00;
	v29 =	vmul.f32 v48, v61  }
.LBB2_5:
0x21d: {  	v41 =	vld [tilespmem:s13+$0x30];
	v46 =	vmul.f32 v46, v47;
	s8 =	sadd.s32 $0x80, s8;
	v15 =	vadd.f32 v8, v15;
	v8 =	vmul.f32 v35, v30  }
0x21e: {  	s12 =	sadd.s32 $0x80, s12;
	v35 =	vmul.f32 v45, v43;
	v37 =	vadd.f32 v37, v44;
	v30 =	vld [tilespmem:s8+$0x30];
	v40 =	vmul.f32 v40, v42  }
0x21f: {  	v12 =	vadd.f32 v7, v12;
	v14 =	vadd.f32 v9, v14;
	p0 =	slt.u32 s12, $0xF80;
	v9 =	vmul.f32 v34, v27;
	v42 =	vld [tilespmem:s8+$0xFFFFFFC0];
	v7 =	vmovc v46  }
0x220: {  	v13 =	vadd.f32 v5, v13;
	v28 =	vmul.f32 v37, v28;
	v25 =	vadd.f32 v25, v38;
	v5 =	vmovc v35;
	v27 =	vld [tilespmem:s13+$0xFFFFFFD0]  }
0x221: {  	v33 =	vadd.f32 v36, v33;
	v34 =	vld [tilespmem:s8+$0xFFFFFFD0];
	[tilespmem:s9+$0xFFFFFFE0] =	vst v12;
	v12 =	vadd.f32 v6, v24;
	v6 =	vmov v40  }
0x222: {  	v11 =	vadd.f32 v11, v15;
	v26 =	vadd.f32 v26, v39;
	v25 =	vmul.f32 v25, v22;
	v24 =	vld [tilespmem:s13+$0xFFFFFFE0];
	[tilespmem:s9+$0xFFFFFFF0] =	vst v13  }
0x223: {  	v15 =	vmul.f32 v41, v1;
	v29 =	vadd.f32 v29, v33;
	v13 =	vld [tilespmem:s8+$0xFFFFFFE0];
	v22 =	vmul.f32 v30, v3;
	[tilespmem:s9+$0x0] =	vst v12  }
0x224: {  	v14 =	vadd.f32 v10, v14;
	v23 =	vadd.f32 v23, v26;
	v12 =	vmul.f32 v42, v3;
	v33 =	vld [tilespmem:s13+$0xFFFFFFF0];
	[tilespmem:s9+$0x10] =	vst v11  }
0x225: {  	v39 =	vadd.f32 v15, v2;
	v26 =	vmul.f32 v27, v1;
	v27 =	vld [tilespmem:s8+$0xFFFFFFF0];
	v40 =	vadd.f32 v22, v4;
	[tilespmem:s11+$0xFFFFFFC0] =	vst v29  }
0x226: {  	v10 =	vmovc v25;
	v11 =	vmov v28;
	v22 =	vadd.f32 v12, v4;
	v12 =	vmul.f32 v34, v3;
	v15 =	vld [tilespmem:s13+$0x0];
	[tilespmem:s11+$0xFFFFFFD0] =	vst v23  }
0x227: {  	v30 =	vadd.f32 v26, v2;
	v25 =	vld [tilespmem:s8+$0x0];
	v26 =	vtrunc.f32 v39;
	v28 =	vtrunc.f32 v40;
	[tilespmem:s9+$0x20] =	vst v14;
	s9 =	smov.u32 s11  }
0x228: {  	v23 =	vadd.f32 v12, v4;
	v12 =	vld [tilespmem:s13+$0x10];
	v14 =	vcvt.f32.s32 v26;
	v26 =	vcvt.f32.s32 v28  }
0x229: {  	v28 =	vmul.f32 v24, v1;
	v13 =	vmul.f32 v13, v3;
	v24 =	vld [tilespmem:s8+$0x10]  }
0x22a: {  	v29 =	vmul.f32 v33, v1;
	v33 =	vld [tilespmem:s13+$0x20];
	vm0 =	vlt.s32 v14, $0xB;
	vm1 =	vlt.s32 v26, $0x9  }
0x22b: {  	v27 =	vmul.f32 v27, v3;
	v34 =	vld [tilespmem:s8+$0x20];
	v41 =	vnsel vm0, $0xB, v14;
	v42 =	vnsel vm1, $0x9, v26  }
0x22c: {  	v35 =	vmul.f32 v15, v1;
	v14 =	vld [tilespmem:s13+$0xFFFFFFC0];
	v15 =	vshll.u32 v41, $0x8;
	v26 =	vshll.u32 v42, $0x4  }
0x22d: {  	v36 =	vmul.f32 v25, v3;
	v15 =	vadd.s32 v15, v26;
	v25 =	vor.u32 v0, v26;
	v20 =	vld.idx.msk [tilespmem:v20+s18+$0x0], $0xffff  }
0x22e: {  	v12 =	vmul.f32 v12, v1;
	v15 =	vand.u32 $0xFFFFFF80, v15;
	v25 =	vand.u32 $0x7F, v25;
	v18 =	vld.idx.msk [tilespmem:v18+s18+$0x0], $0xffff  }
0x22f: {  	v43 =	vmul.f32 v24, v3;
	v44 =	vmul.f32 v33, v1;
	v45 =	vor.u32 v25, v15;
	v24 =	vld.idx.msk [tilespmem:v21+s18+$0x0], $0xffff  }
0x230: {  	v33 =	vadd.f32 v28, v2;
	v25 =	vadd.f32 v13, v4;
	v13 =	vmul.f32 v34, v3;
	v15 =	vld.idx.msk [tilespmem:v19+s18+$0x0], $0xffff  }
0x231: {  	v26 =	vadd.f32 v27, v4;
	v34 =	vadd.f32 v29, v2;
	v19 =	vmul.f32 v14, v1;
	v14 =	vld.idx.msk [tilespmem:v17+s18+$0x0], $0xffff  }
0x232: {  	v35 =	vadd.f32 v35, v2;
	v27 =	vadd.f32 v36, v4;
	v17 =	vtrunc.f32 v22  }
0x233: {  	v37 =	vadd.f32 v12, v2;
	v38 =	vadd.f32 v19, v2;
	v19 =	vtrunc.f32 v30  }
0x234: {  	v12 =	vcvt.s32.f32 v41;
	v28 =	vadd.f32 v43, v4;
	v36 =	vadd.f32 v44, v2;
	v21 =	vld.idx.msk [tilespmem:v45+s21+$0x0], $0xffff  }
0x235: {  	v43 =	vtrunc.f32 v23;
	v29 =	vadd.f32 v13, v4;
	v41 =	vtrunc.f32 v38;
	v44 =	vld.idx.msk [tilespmem:v45+s19+$0x0], $0xffff  }
0x236: {  	v46 =	vtrunc.f32 v33;
	v47 =	vtrunc.f32 v25;
	v13 =	vsub.f32 v39, v12;
	v39 =	vld.idx.msk [tilespmem:v45+s20+$0x0], $0xffff  }
0x237: {  	v49 =	vtrunc.f32 v26;
	v48 =	vtrunc.f32 v34;
	v12 =	vadd.f32 v31, v20  }
0x238: {  	v20 =	vtrunc.f32 v35;
	v31 =	vcvt.s32.f32 v42;
	v13 =	vmax.f32 v13, $0.0e+00;
	v42 =	vld.idx.msk [tilespmem:v45+s18+$0x0], $0xffff  }
0x239: {  	v50 =	vtrunc.f32 v37;
	v51 =	vmin.f32 v13, $1.000000000e+00;
	v45 =	vtrunc.f32 v27  }
0x23a: {  	v52 =	vtrunc.f32 v28;
	v31 =	vsub.f32 v40, v31;
	v21 =	vmul.f32 v51, v21  }
0x23b: {  	v40 =	vtrunc.f32 v36;
	v53 =	vtrunc.f32 v29;
	v13 =	vadd.f32 v32, v18  }
0x23c: {  	v18 =	vmax.f32 v31, $0.0e+00;
	v31 =	vmul.f32 v51, v44;
	v21 =	vadd.f32 v21, v39  }
0x23d: {  	v17 =	vcvt.f32.s32 v17;
	v32 =	vcvt.f32.s32 v41;
	v18 =	vmin.f32 v18, $1.000000000e+00  }
0x23e: {  	v19 =	vcvt.f32.s32 v19;
	v31 =	vadd.f32 v31, v42;
	v18 =	vmul.f32 v21, v18  }
0x23f: {  	vm0 =	vlt.s32 v32, $0xB;
	v39 =	vcvt.f32.s32 v46;
	v21 =	vcvt.f32.s32 v43  }
0x240: {  	v41 =	vcvt.f32.s32 v47;
	v42 =	vcvt.f32.s32 v48;
	v18 =	vadd.f32 v18, v31  }
0x241: {  	s11 =	sadd.s32 $0x80, s11;
	v20 =	vcvt.f32.s32 v20;
	vm1 =	vlt.s32 v17, $0x9;
	v31 =	vcvt.f32.s32 v49  }
0x242: {  	vm2 =	vlt.s32 v19, $0xB;
	v44 =	vcvt.f32.s32 v50;
	v43 =	vcvt.f32.s32 v45;
	[tilespmem:s11+$0x30] =	vst v18  }
0x243: {  	v40 =	vcvt.f32.s32 v40;
	vm3 =	vlt.s32 v21, $0x9;
	v18 =	vcvt.f32.s32 v52  }
0x244: {  	vm5 =	vlt.s32 v41, $0x9;
	vm4 =	vlt.s32 v39, $0xB;
	v45 =	vcvt.f32.s32 v53  }
0x245: {  	vm8 =	vlt.s32 v20, $0xB;
	vm6 =	vlt.s32 v42, $0xB;
	vm7 =	vlt.s32 v31, $0x9  }
0x246: {  	vm10 =	vlt.s32 v44, $0xB;
	vm9 =	vlt.s32 v43, $0x9;
	vm11 =	vlt.s32 v18, $0x9  }
0x247: {  	v32 =	vnsel vm0, $0xB, v32;
	vm0 =	vlt.s32 v40, $0xB;
	vm12 =	vlt.s32 v45, $0x9  }
0x248: {  	v47 =	vnsel vm2, $0xB, v19;
	v46 =	vnsel vm1, $0x9, v17;
	v48 =	vnsel vm3, $0x9, v21  }
0x249: {  	v41 =	vnsel vm5, $0x9, v41;
	v49 =	vnsel vm4, $0xB, v39;
	v42 =	vnsel vm6, $0xB, v42  }
0x24a: {  	v50 =	vnsel vm8, $0xB, v20;
	v43 =	vnsel vm9, $0x9, v43;
	v31 =	vnsel vm7, $0x9, v31  }
0x24b: {  	v40 =	vnsel vm0, $0xB, v40;
	v44 =	vnsel vm10, $0xB, v44;
	v51 =	vnsel vm11, $0x9, v18  }
0x24c: {  	v17 =	vshll.u32 v32, $0x8;
	v45 =	vnsel vm12, $0x9, v45;
	v18 =	vshll.u32 v46, $0x4  }
0x24d: {  	v19 =	vshll.u32 v47, $0x8;
	v21 =	vshll.u32 v49, $0x8;
	v20 =	vshll.u32 v48, $0x4  }
0x24e: {  	v39 =	vshll.u32 v41, $0x4;
	v52 =	vshll.u32 v42, $0x8;
	v53 =	vshll.u32 v31, $0x4  }
0x24f: {  	v54 =	vshll.u32 v50, $0x8;
	v56 =	vshll.u32 v44, $0x8;
	v55 =	vshll.u32 v43, $0x4  }
0x250: {  	v58 =	vshll.u32 v40, $0x8;
	v59 =	vshll.u32 v45, $0x4;
	v57 =	vshll.u32 v51, $0x4  }
0x251: {  	v19 =	vadd.s32 v19, v20;
	v17 =	vadd.s32 v17, v18;
	v18 =	vor.u32 v0, v18  }
0x252: {  	v21 =	vadd.s32 v21, v39;
	v39 =	vor.u32 v0, v39;
	v20 =	vor.u32 v0, v20  }
0x253: {  	v54 =	vadd.s32 v54, v55;
	v52 =	vadd.s32 v52, v53;
	v53 =	vor.u32 v0, v53  }
0x254: {  	v55 =	vor.u32 v0, v55;
	v56 =	vadd.s32 v56, v57;
	v57 =	vor.u32 v0, v57  }
0x255: {  	v58 =	vadd.s32 v58, v59;
	v59 =	vor.u32 v0, v59;
	v17 =	vand.u32 $0xFFFFFF80, v17  }
0x256: {  	v19 =	vand.u32 $0xFFFFFF80, v19;
	v20 =	vand.u32 $0x7F, v20;
	v18 =	vand.u32 $0x7F, v18  }
0x257: {  	v21 =	vand.u32 $0xFFFFFF80, v21;
	v60 =	vand.u32 $0x7F, v39;
	v52 =	vand.u32 $0xFFFFFF80, v52  }
0x258: {  	v54 =	vand.u32 $0xFFFFFF80, v54;
	v55 =	vand.u32 $0x7F, v55;
	v53 =	vand.u32 $0x7F, v53  }
0x259: {  	v58 =	vand.u32 $0xFFFFFF80, v58;
	v56 =	vand.u32 $0xFFFFFF80, v56;
	v57 =	vand.u32 $0x7F, v57  }
0x25a: {  	v39 =	vor.u32 v20, v19;
	v61 =	vor.u32 v18, v17;
	v17 =	vand.u32 $0x7F, v59  }
0x25b: {  	v20 =	vor.u32 v60, v21;
	v21 =	vor.u32 v55, v54;
	v18 =	vor.u32 v53, v52  }
0x25c: {  	v32 =	vcvt.s32.f32 v32;
	v19 =	vor.u32 v57, v56;
	v17 =	vor.u32 v17, v58  }
0x25d: {  	v24 =	vadd.f32 v16, v24;
	v47 =	vcvt.s32.f32 v47;
	v49 =	vcvt.s32.f32 v49  }
0x25e: {  	v16 =	vsub.f32 v38, v32;
	v38 =	vcvt.s32.f32 v50;
	v32 =	vcvt.s32.f32 v42  }
0x25f: {  	v30 =	vsub.f32 v30, v47;
	v40 =	vcvt.s32.f32 v40;
	v44 =	vcvt.s32.f32 v44;
	v42 =	vld.idx.msk [tilespmem:v61+s21+$0x0], $0xffff  }
0x260: {  	v16 =	vmax.f32 v16, $0.0e+00;
	v33 =	vsub.f32 v33, v49;
	v32 =	vsub.f32 v34, v32;
	v47 =	vld.idx.msk [tilespmem:v39+s21+$0x0], $0xffff  }
0x261: {  	v30 =	vmax.f32 v30, $0.0e+00;
	v34 =	vsub.f32 v35, v38;
	v35 =	vsub.f32 v37, v44;
	v49 =	vld.idx.msk [tilespmem:v20+s21+$0x0], $0xffff  }
0x262: {  	v36 =	vsub.f32 v36, v40;
	v33 =	vmax.f32 v33, $0.0e+00;
	v32 =	vmax.f32 v32, $0.0e+00;
	v37 =	vld.idx.msk [tilespmem:v18+s21+$0x0], $0xffff  }
0x263: {  	v38 =	vcvt.s32.f32 v46;
	v34 =	vmax.f32 v34, $0.0e+00;
	v35 =	vmax.f32 v35, $0.0e+00;
	v40 =	vld.idx.msk [tilespmem:v21+s21+$0x0], $0xffff  }
0x264: {  	v41 =	vcvt.s32.f32 v41;
	v36 =	vmax.f32 v36, $0.0e+00;
	v44 =	vcvt.s32.f32 v48;
	v46 =	vld.idx.msk [tilespmem:v19+s21+$0x0], $0xffff  }
0x265: {  	v16 =	vmin.f32 v16, $1.000000000e+00;
	v43 =	vcvt.s32.f32 v43;
	v31 =	vcvt.s32.f32 v31;
	v48 =	vld.idx.msk [tilespmem:v17+s21+$0x0], $0xffff  }
0x266: {  	v30 =	vmin.f32 v30, $1.000000000e+00;
	v45 =	vcvt.s32.f32 v45;
	v51 =	vcvt.s32.f32 v51;
	v50 =	vld.idx.msk [tilespmem:v61+s19+$0x0], $0xffff  }
0x267: {  	v33 =	vmin.f32 v33, $1.000000000e+00;
	v32 =	vmin.f32 v32, $1.000000000e+00;
	v53 =	vmin.f32 v34, $1.000000000e+00;
	v52 =	vld.idx.msk [tilespmem:v61+s20+$0x0], $0xffff  }
0x268: {  	v35 =	vmin.f32 v35, $1.000000000e+00;
	v34 =	vmin.f32 v36, $1.000000000e+00;
	v42 =	vmul.f32 v16, v42;
	v54 =	vld.idx.msk [tilespmem:v39+s19+$0x0], $0xffff  }
0x269: {  	v22 =	vsub.f32 v22, v38;
	v47 =	vmul.f32 v30, v47;
	v49 =	vmul.f32 v33, v49;
	v38 =	vld.idx.msk [tilespmem:v39+s20+$0x0], $0xffff  }
0x26a: {  	v23 =	vsub.f32 v23, v44;
	v55 =	vmul.f32 v32, v37;
	v40 =	vmul.f32 v53, v40;
	v44 =	vld.idx.msk [tilespmem:v20+s19+$0x0], $0xffff  }
0x26b: {  	v41 =	vsub.f32 v25, v41;
	v37 =	vmul.f32 v35, v46;
	v25 =	vmul.f32 v34, v48;
	v56 =	vld.idx.msk [tilespmem:v20+s20+$0x0], $0xffff  }
0x26c: {  	v27 =	vsub.f32 v27, v43;
	v36 =	vmul.f32 v16, v50;
	v16 =	vsub.f32 v26, v31;
	v48 =	vld.idx.msk [tilespmem:v18+s19+$0x0], $0xffff  }
0x26d: {  	v29 =	vsub.f32 v29, v45;
	v22 =	vmax.f32 v22, $0.0e+00;
	v28 =	vsub.f32 v28, v51;
	v50 =	vld.idx.msk [tilespmem:v18+s20+$0x0], $0xffff  }
0x26e: {  	v23 =	vmax.f32 v23, $0.0e+00;
	v51 =	vadd.f32 v42, v52;
	v26 =	vmul.f32 v30, v54;
	v52 =	vld.idx.msk [tilespmem:v21+s19+$0x0], $0xffff  }
0x26f: {  	v16 =	vmax.f32 v16, $0.0e+00;
	v54 =	vadd.f32 v47, v38;
	v38 =	vmax.f32 v41, $0.0e+00;
	v41 =	vld.idx.msk [tilespmem:v21+s20+$0x0], $0xffff  }
0x270: {  	v28 =	vmax.f32 v28, $0.0e+00;
	v31 =	vmul.f32 v33, v44;
	v33 =	vmax.f32 v27, $0.0e+00;
	v30 =	vld.idx.msk [tilespmem:v19+s19+$0x0], $0xffff  }
.Ltmp3:
0x271: {  	v57 =	vmin.f32 v22, $1.000000000e+00;
	v22 =	vmax.f32 v29, $0.0e+00;
	v46 =	vadd.f32 v49, v56;
	v44 =	vld.idx.msk [tilespmem:v19+s20+$0x0], $0xffff;
	(pc) =	sbr.rel @p0 .LBB2_5-.Ltmp3, $4  }
0x272: {  	v23 =	vmin.f32 v23, $1.000000000e+00;
	v47 =	vmin.f32 v38, $1.000000000e+00;
	v32 =	vmul.f32 v32, v48;
	v27 =	vld.idx.msk [tilespmem:v17+s19+$0x0], $0xffff  }
0x273: {  	v43 =	vmin.f32 v16, $1.000000000e+00;
	v42 =	vmin.f32 v33, $1.000000000e+00;
	v45 =	vadd.f32 v55, v50;
	v38 =	vld.idx.msk [tilespmem:v17+s20+$0x0], $0xffff  }
0x274: {  	v22 =	vmin.f32 v22, $1.000000000e+00;
	v28 =	vmin.f32 v28, $1.000000000e+00;
	v16 =	vmul.f32 v53, v52;
	v33 =	vld.idx.msk [tilespmem:v61+s18+$0x0], $0xffff  }
0x275: {  	s13 =	sadd.s32 $0x80, s13;
	v29 =	vmul.f32 v51, v57;
	v23 =	vmul.f32 v54, v23;
	v40 =	vadd.f32 v40, v41;
	v39 =	vld.idx.msk [tilespmem:v39+s18+$0x0], $0xffff  }
0x276: {  	_ =	sdelay $0x2  }
0x277: {  	v7 =	vadd.f32 v7, v12  }
0x278: {  	v8 =	vadd.f32 v8, v15;
	v49 =	vmul.f32 v46, v47;
	v50 =	vld.idx.msk [tilespmem:v20+s18+$0x0], $0xffff;
	v5 =	vadd.f32 v5, v13  }
0x279: {  	v37 =	vadd.f32 v37, v44;
	v9 =	vadd.f32 v9, v14;
	v52 =	vld.idx.msk [tilespmem:v18+s18+$0x0], $0xffff;
	[tilespmem:s9+$0xFFFFFFE0] =	vst v7  }
0x27a: {  	v6 =	vadd.f32 v6, v24;
	v7 =	vld.idx.msk [tilespmem:v21+s18+$0x0], $0xffff;
	[tilespmem:s9+$0xFFFFFFF0] =	vst v5;
	v5 =	vadd.f32 v11, v8  }
0x27b: {  	v51 =	vmul.f32 v35, v30;
	v55 =	vld.idx.msk [tilespmem:v19+s18+$0x0], $0xffff;
	v56 =	vadd.f32 v25, v38;
	v53 =	vadd.f32 v36, v33  }
0x27c: {  	[tilespmem:s9+$0x0] =	vst v6;
	v6 =	vld.idx.msk [tilespmem:v17+s18+$0x0], $0xffff;
	v9 =	vadd.f32 v10, v9;
	v54 =	vadd.f32 v26, v39  }
0x27d: {  	v57 =	vmul.f32 v45, v43;
	[tilespmem:s9+$0x10] =	vst v5;
	v14 =	vadd.f32 v29, v53;
	v5 =	vadd.f32 v31, v50  }
0x27e: {  	v58 =	vmul.f32 v40, v42;
	[tilespmem:s9+$0x20] =	vst v9;
	v59 =	vadd.f32 v32, v52;
	v18 =	vadd.f32 v23, v54  }
0x27f: {  	v60 =	vmul.f32 v34, v27;
	[tilespmem:s11+$0xFFFFFFC0] =	vst v14;
	v7 =	vadd.f32 v16, v7;
	v5 =	vadd.f32 v49, v5  }
0x280: {  	v61 =	vmul.f32 v37, v28;
	v8 =	vadd.f32 v51, v55;
	v62 =	vadd.f32 v57, v59;
	[tilespmem:s11+$0xFFFFFFD0] =	vst v18  }
0x281: {  	v63 =	vmul.f32 v56, v22;
	v6 =	vadd.f32 v60, v6;
	[tilespmem:s11+$0xFFFFFFE0] =	vst v5;
	v5 =	vadd.f32 v58, v7  }
.Ltmp4:
0x282: {  	[tilespmem:s11+$0xFFFFFFF0] =	vst v62;
	v7 =	vadd.f32 v61, v8;
	(pc) =	sbr.rel @p1 .LBB2_8-.Ltmp4, $4  }
0x283: {  	[tilespmem:s11+$0x0] =	vst v5;
	v5 =	vadd.f32 v63, v6  }
0x284: {  	s8 =	sadd.s32 s7, s3;
	[tilespmem:s11+$0x10] =	vst v7  }
0x285: {  	s8 =	sadd.s32 $0x200, s8;
	[tilespmem:s11+$0x20] =	vst v5  }
0x286: {  	[hbm4b:s8+s4] =	stream.linear.scatter [tilespmem:s0], [sflag:$0x6], $0x1000, $0x38;
	[tilespmem:$0xA200] =	vst v63  }
.Ltmp5:
0x287: {  	s7 =	sadd.s32 $0x600, s7;
	(pc) =	sbr.rel .LBB2_2-.Ltmp5, $4  }
0x288: {  	s8 =	sadd.s32 s1, s7  }
0x289: {  	[tilespmem:s24], [sflag:$0x2] =	stream.linear.gather [hbm4b:s8+s4], $0x1000, $0x38;
	[tilespmem:$0xA200] =	vst v63  }
0x28a: {  	s6 =	sadd.s32 $0x1, s6;
	s7 =	sadd.s32 s2, s7  }
0x28b: {  	[tilespmem:s25], [sflag:$0x4] =	stream.linear.gather [hbm4b:s7+s4], $0x1000, $0x38;
	[tilespmem:$0xA200] =	vst v63  }
.LBB2_9:
0x28c: {  	_ =	sfence.sel $0x180000  }
0x28d: {  	[bflag:$0x0] =	sbarrier.arrive $0xFFFF  }
0x28e: {  	_ =	strace $0x90000047  }
0x28f: {  	s0 =	stileid.u32;
	[bflag:$0x2] =	sbarrier.arrive $0xFFFF  }
0x290: {  	p0 =	sne.s32 s0, $0x0;
	s0 =	rddreg [dreg:$0x4]  }
0x291: {  	s0 =	sadd.s32 @!p0 $0x100000, s0  }
0x292: {  	[sflag:s0] =	ssyncadd.tile.s32 @!p0 $0x1;
	_ =	shalt  }
.Lfunc_end2:
_tile_overlayer_lowered:
.L_overlay_start_2:
0x293: {  	(tag) =	ssettag $0x2  }
0x294: {  	s0 =	rddreg [dreg:$0x0];
	s2 =	stileid.u32  }
0x295: {  	s1 =	rddreg [dreg:$0x1];
	p0 =	sne.s32 s2, $0x0  }
0x296: {  	s3 =	rddreg [dreg:$0x2];
	[bflag:$0x3] =	sbarrier.arrive $0xFFFF;
	s2 =	simm.s32 @!p0 $0x1C07  }
0x297: {  	[timem:s3], [sflag:s2] =	dma.local @!p0 [hbm:s0], s1  }
0x298: {  	s0 =	simm.s32 @!p0 $0x7  }
0x299: {  	_ =	swait.ge @!p0 [sflag:s0], s1  }
0x29a: {  	s1 =	ssub.s32 @!p0 $0x0, s1;
	[sflag:s0] =	ssyncset.done @!p0 $0x0  }
0x29b: {  	[sflag:s0] =	ssyncadd.s32 @!p0 s1  }
0x29c: {  	[bflag:$0x3] =	sbarrier.arrive $0xFFFF  }
0x29d: {  	_ =	shalt  }

</sc_bundles>
